<compile_context>
chip_gen: v7x
topology: tpu7x:2x2x1
jax: 0.10.2.dev20260603
libtpu: 0.0.44.dev20260713+nightly
codegen_flags: <defaults>
</compile_context>

<pallas_src>
import functools

import jax
import jax.numpy as jnp
from jax import lax
from jax.experimental import pallas as pl
from jax.experimental.pallas import tpu as pltpu
from jax.experimental.pallas import tpu_sc as plsc

HIDDEN = 128
EPS = 1e-12

NUM_CORES = 2
NUM_SUBCORES = 16
NW = NUM_CORES * NUM_SUBCORES
C = 128
NBUF = 2
LANES = 16
VPH = HIDDEN // LANES
TGROUP = 16


def _permute(v, idx2d):
    return lax.gather(
        v, idx2d,
        lax.GatherDimensionNumbers(
            offset_dims=(), collapsed_slice_dims=(0,), start_index_map=(0,)),
        (1,), mode=lax.GatherScatterMode.PROMISE_IN_BOUNDS)


def _rsqrt_vec(x):
    i = lax.bitcast_convert_type(x, jnp.int32)
    i = jnp.int32(0x5F3759DF) - (i >> 1)
    y = lax.bitcast_convert_type(i, jnp.float32)
    half = x * jnp.float32(0.5)
    for _ in range(2):
        y = y * (jnp.float32(1.5) - half * y * y)
    return y


def _sc_body(ids_w2, ids_c2, wtab, ctab, gamma, beta, out,
             idsw_v, idsc_v, wb, pb, ob, g_v, b_v,
             semgw, semgp, semwb, *, n_tokens):
    wid = lax.axis_index("s") * NUM_CORES + lax.axis_index("c")
    per_w = n_tokens // NW
    ch = per_w // C
    base0 = wid * per_w

    pltpu.sync_copy(gamma, g_v)
    pltpu.sync_copy(beta, b_v)
    pltpu.sync_copy(ids_w2.at[wid], idsw_v)
    pltpu.sync_copy(ids_c2.at[wid], idsc_v)

    inv_h = jnp.float32(1.0 / HIDDEN)
    lane = lax.iota(jnp.int32, LANES)
    perms = [(lane ^ (1 << k)).reshape(LANES, 1) for k in range(4)]

    def fire_w(g, s):
        sl = pl.ds(g * C, C)
        pltpu.async_copy(wtab.at[idsw_v.at[sl]], wb.at[s], semgw.at[s])

    def fire_p(g, s):
        sl = pl.ds(g * C, C)
        pltpu.async_copy(ctab.at[idsc_v.at[sl]], pb.at[s], semgp.at[s])

    def drain_w(g, s):
        sl = pl.ds(g * C, C)
        pltpu.make_async_copy(wtab.at[idsw_v.at[sl]], wb.at[s],
                              semgw.at[s]).wait()

    def drain_p(g, s):
        sl = pl.ds(g * C, C)
        pltpu.make_async_copy(ctab.at[idsc_v.at[sl]], pb.at[s],
                              semgp.at[s]).wait()

    def out_slice(g):
        return out.at[pl.ds(base0 + g * C, C)]

    def compute(g, ws, ps, os_):
        def tok16(i16, _):
            tb = i16 * TGROUP
            for u in range(TGROUP):
                t = tb + u
                accs = []
                vsum = jnp.zeros((LANES,), jnp.float32)
                vsq = jnp.zeros((LANES,), jnp.float32)
                for j in range(VPH):
                    sl = pl.ds(j * LANES, LANES)
                    a = wb[ws, t, sl] + pb[ps, t, sl]
                    accs.append(a)
                    vsum = vsum + a
                    vsq = vsq + a * a
                for p in perms:
                    vsum = vsum + _permute(vsum, p)
                    vsq = vsq + _permute(vsq, p)
                mv = vsum * inv_h
                var = vsq * inv_h - mv * mv
                rstd = _rsqrt_vec(var + jnp.float32(EPS))
                for j in range(VPH):
                    sl = pl.ds(j * LANES, LANES)
                    ob[os_, t, sl] = (accs[j] - mv) * rstd * g_v[sl] + b_v[sl]
            return _

        lax.fori_loop(0, C // TGROUP, tok16, None)

    def maybe(cond, fn):
        if isinstance(cond, bool):
            if cond:
                fn()
        else:
            pl.when(cond)(fn)

    def body(g, sg):
        s2 = sg % 2
        maybe(g + 1 < ch, lambda: fire_w(g + 1, (sg + 1) % 2))
        maybe(g + 1 < ch, lambda: fire_p(g + 1, (sg + 1) % 2))
        drain_w(g, s2)
        drain_p(g, s2)
        maybe(g >= 2, lambda: pltpu.make_async_copy(
            ob.at[s2], out_slice(g - 2), semwb.at[s2]).wait())
        pltpu.async_copy(wb.at[s2], out_slice(g), semwb.at[s2])

    fire_w(0, 0)
    fire_p(0, 0)

    def pipe(i, _):
        for sg in range(2):
            body(i * 2 + sg, sg)
        return _

    lax.fori_loop(0, ch // 2, pipe, None)

    for g in range(ch - 2, ch):
        pltpu.make_async_copy(ob.at[g % 2], out_slice(g),
                              semwb.at[g % 2]).wait()


def kernel(input_ids, token_type_ids, position_ids, word_emb, pos_emb,
           type_emb, ln_gamma, ln_beta):
    B, L = input_ids.shape
    n = B * L
    per_w = n // NW
    tv = type_emb.shape[0]
    ids_w = input_ids.reshape(NW, per_w).astype(jnp.int32)
    ids_c = (position_ids.astype(jnp.int32) * tv
             + token_type_ids.astype(jnp.int32)).reshape(NW, per_w)
    ctab = (pos_emb[:, None, :] + type_emb[None, :, :]).reshape(-1, HIDDEN)

    mesh = plsc.VectorSubcoreMesh(
        core_axis_name="c", subcore_axis_name="s",
        num_cores=NUM_CORES, num_subcores=NUM_SUBCORES)

    run = pl.kernel(
        functools.partial(_sc_body, n_tokens=n),
        out_type=jax.ShapeDtypeStruct((n, HIDDEN), jnp.float32),
        mesh=mesh,
        scratch_types=[
            pltpu.VMEM((per_w,), jnp.int32),
            pltpu.VMEM((per_w,), jnp.int32),
            pltpu.VMEM((2, C, HIDDEN), jnp.float32),
            pltpu.VMEM((2, C, HIDDEN), jnp.float32),
            pltpu.VMEM((2, C, HIDDEN), jnp.float32),
            pltpu.VMEM((HIDDEN,), jnp.float32),
            pltpu.VMEM((HIDDEN,), jnp.float32),
            pltpu.SemaphoreType.DMA((2,)),
            pltpu.SemaphoreType.DMA((2,)),
            pltpu.SemaphoreType.DMA((2,)),
        ],
    )
    out = run(ids_w, ids_c, word_emb, ctab, ln_gamma, ln_beta)
    return out.reshape(B, L, HIDDEN)

# --- scband reference (transcript-rebuilt; emitter-appended) ---
"""Pipeline reference for scband-bert-embeddings-31628139167903 (READ-ONLY COPY).

The authoritative reference and input builder live on the scoring server;
editing this copy changes nothing except your own understanding.
"""

import jax, jax.numpy as jnp
import numpy as np

VOCAB = 100000
HIDDEN = 128
MAX_POS = 512
TYPE_VOCAB = 2
EPS = 1e-12
B, L = 1024, 200


def setup_inputs(seed: int = 0) -> dict:
    key = jax.random.key(seed)
    k1, k2, k3, k4, k5, k6 = jax.random.split(key, 6)
    input_ids = jax.random.randint(k1, (B, L), 0, VOCAB, dtype=jnp.int64 if jax.config.jax_enable_x64 else jnp.int32)
    token_type_ids = jax.random.randint(k2, (B, L), 0, TYPE_VOCAB, dtype=input_ids.dtype)
    position_ids = jax.random.randint(k3, (B, L), 0, MAX_POS, dtype=input_ids.dtype)
    word_emb = jax.random.normal(k4, (VOCAB, HIDDEN), dtype=jnp.float32) * 0.02
    pos_emb = jax.random.normal(k5, (MAX_POS, HIDDEN), dtype=jnp.float32) * 0.02
    type_emb = jax.random.normal(k6, (TYPE_VOCAB, HIDDEN), dtype=jnp.float32) * 0.02
    ln_gamma = jnp.ones((HIDDEN,), dtype=jnp.float32)
    ln_beta = jnp.zeros((HIDDEN,), dtype=jnp.float32)
    return {
        "input_ids": input_ids,
        "token_type_ids": token_type_ids,
        "position_ids": position_ids,
        "word_emb": word_emb,
        "pos_emb": pos_emb,
        "type_emb": type_emb,
        "ln_gamma": ln_gamma,
        "ln_beta": ln_beta,
    }


def _layer_norm(x, gamma, beta, eps):
    mean = jnp.mean(x, axis=-1, keepdims=True)
    var = jnp.mean(jnp.square(x - mean), axis=-1, keepdims=True)
    return (x - mean) / jnp.sqrt(var + eps) * gamma + beta


def reference(input_ids, token_type_ids, position_ids, word_emb, pos_emb, type_emb, ln_gamma, ln_beta):
    x = jnp.take(word_emb, input_ids, axis=0)
    x = x + jnp.take(pos_emb, position_ids, axis=0)
    x = x + jnp.take(type_emb, token_type_ids, axis=0)
    x = _layer_norm(x, ln_gamma, ln_beta, EPS)
    return x

if __name__ == "__main__":
    import jax
    _d = setup_inputs()
    print(jax.jit(kernel)(*tuple(_d.values())))

</pallas_src>

<mosaic_0001>
#map = affine_map<(d0, d1) -> (0, 0)>
#map1 = affine_map<(d0, d1) -> (0)>
module attributes {stable_mosaic.version = 14 : i64} {
  func.func @_sc_body(%arg0: i32, %arg1: i32, %arg2: memref<32x6400xi32, #tpu.memory_space<hbm>>, %arg3: memref<32x6400xi32, #tpu.memory_space<hbm>>, %arg4: memref<100000x128xf32, #tpu.memory_space<hbm>>, %arg5: memref<1024x128xf32, #tpu.memory_space<hbm>>, %arg6: memref<128xf32, #tpu.memory_space<hbm>>, %arg7: memref<128xf32, #tpu.memory_space<hbm>>, %arg8: memref<204800x128xf32, #tpu.memory_space<hbm>>, %arg9: memref<6400xi32, #tpu.memory_space<vmem>>, %arg10: memref<6400xi32, #tpu.memory_space<vmem>>, %arg11: memref<2x128x128xf32, #tpu.memory_space<vmem>>, %arg12: memref<2x128x128xf32, #tpu.memory_space<vmem>>, %arg13: memref<2x128x128xf32, #tpu.memory_space<vmem>>, %arg14: memref<128xf32, #tpu.memory_space<vmem>>, %arg15: memref<128xf32, #tpu.memory_space<vmem>>, %arg16: memref<2x!tpu.dma_semaphore, #tpu.memory_space<semaphore_mem>>, %arg17: memref<2x!tpu.dma_semaphore, #tpu.memory_space<semaphore_mem>>, %arg18: memref<2x!tpu.dma_semaphore, #tpu.memory_space<semaphore_mem>>) attributes {dimension_semantics = [#tpu.dimension_semantics<core_parallel>, #tpu.dimension_semantics<subcore_parallel>], iteration_bounds = array<i64: 2, 16>, scalar_prefetch = 0 : i64, scratch_operands = 10 : i64, tpu.core_type = #tpu.core_type<sc_vector_subcore>, window_params = [{transform_indices = #map}, {transform_indices = #map}, {transform_indices = #map}, {transform_indices = #map}, {transform_indices = #map1}, {transform_indices = #map1}, {transform_indices = #map}]} {
    %mul3A = arith.constant 2 : i32
    %mul3A_0 = arith.muli %arg1, %mul3A : i32
    %add3A = arith.addi %mul3A_0, %arg0 : i32
    %mul3A_1 = arith.constant 6400 : i32
    %mul3A_2 = arith.muli %add3A, %mul3A_1 : i32
    "tpu.region"() ({
      %run_scoped3A = tpu.sem_alloc : memref<!tpu.dma_semaphore, #tpu.memory_space<semaphore_mem>>
      tpu.enqueue_dma source(%arg6 : memref<128xf32, #tpu.memory_space<hbm>>) target(%arg14 : memref<128xf32, #tpu.memory_space<vmem>>) target_semaphore(%run_scoped3A : memref<!tpu.dma_semaphore, #tpu.memory_space<semaphore_mem>>)
      tpu.wait_dma2 semaphore(%run_scoped3A : memref<!tpu.dma_semaphore, #tpu.memory_space<semaphore_mem>>) src(%arg6 : memref<128xf32, #tpu.memory_space<hbm>>) dst(%arg14 : memref<128xf32, #tpu.memory_space<vmem>>)
      tpu.yield
    }) : () -> ()
    "tpu.region"() ({
      %run_scoped3A = tpu.sem_alloc : memref<!tpu.dma_semaphore, #tpu.memory_space<semaphore_mem>>
      tpu.enqueue_dma source(%arg7 : memref<128xf32, #tpu.memory_space<hbm>>) target(%arg15 : memref<128xf32, #tpu.memory_space<vmem>>) target_semaphore(%run_scoped3A : memref<!tpu.dma_semaphore, #tpu.memory_space<semaphore_mem>>)
      tpu.wait_dma2 semaphore(%run_scoped3A : memref<!tpu.dma_semaphore, #tpu.memory_space<semaphore_mem>>) src(%arg7 : memref<128xf32, #tpu.memory_space<hbm>>) dst(%arg15 : memref<128xf32, #tpu.memory_space<vmem>>)
      tpu.yield
    }) : () -> ()
    "tpu.region"() ({
      %run_scoped3A = tpu.sem_alloc : memref<!tpu.dma_semaphore, #tpu.memory_space<semaphore_mem>>
      %dma_start3A_81 = arith.constant 0 : i32
      %dma_start3A_82 = tpu.memref_slice %arg2[%add3A, %dma_start3A_81] : memref<32x6400xi32, #tpu.memory_space<hbm>> -> memref<1x6400xi32, #tpu.memory_space<hbm>>
      %dma_start3A_83 = tpu.memref_squeeze %dma_start3A_82 : memref<1x6400xi32, #tpu.memory_space<hbm>> -> memref<6400xi32, #tpu.memory_space<hbm>>
      %dma_start3A_84 = arith.constant 0 : i32
      %dma_start3A_85 = tpu.memref_slice %arg2[%add3A, %dma_start3A_84] : memref<32x6400xi32, #tpu.memory_space<hbm>> -> memref<1x6400xi32, #tpu.memory_space<hbm>>
      %dma_start3A_86 = tpu.memref_squeeze %dma_start3A_85 : memref<1x6400xi32, #tpu.memory_space<hbm>> -> memref<6400xi32, #tpu.memory_space<hbm>>
      tpu.enqueue_dma source(%dma_start3A_86 : memref<6400xi32, #tpu.memory_space<hbm>>) target(%arg9 : memref<6400xi32, #tpu.memory_space<vmem>>) target_semaphore(%run_scoped3A : memref<!tpu.dma_semaphore, #tpu.memory_space<semaphore_mem>>)
      %dma_wait3A_87 = arith.constant 0 : i32
      %dma_wait3A_88 = tpu.memref_slice %arg2[%add3A, %dma_wait3A_87] : memref<32x6400xi32, #tpu.memory_space<hbm>> -> memref<1x6400xi32, #tpu.memory_space<hbm>>
      %dma_wait3A_89 = tpu.memref_squeeze %dma_wait3A_88 : memref<1x6400xi32, #tpu.memory_space<hbm>> -> memref<6400xi32, #tpu.memory_space<hbm>>
      %dma_wait3A_90 = arith.constant 0 : i32
      %dma_wait3A_91 = tpu.memref_slice %arg2[%add3A, %dma_wait3A_90] : memref<32x6400xi32, #tpu.memory_space<hbm>> -> memref<1x6400xi32, #tpu.memory_space<hbm>>
      %dma_wait3A_92 = tpu.memref_squeeze %dma_wait3A_91 : memref<1x6400xi32, #tpu.memory_space<hbm>> -> memref<6400xi32, #tpu.memory_space<hbm>>
      tpu.wait_dma2 semaphore(%run_scoped3A : memref<!tpu.dma_semaphore, #tpu.memory_space<semaphore_mem>>) src(%dma_wait3A_92 : memref<6400xi32, #tpu.memory_space<hbm>>) dst(%arg9 : memref<6400xi32, #tpu.memory_space<vmem>>)
      tpu.yield
    }) : () -> ()
    "tpu.region"() ({
      %run_scoped3A = tpu.sem_alloc : memref<!tpu.dma_semaphore, #tpu.memory_space<semaphore_mem>>
      %dma_start3A_81 = arith.constant 0 : i32
      %dma_start3A_82 = tpu.memref_slice %arg3[%add3A, %dma_start3A_81] : memref<32x6400xi32, #tpu.memory_space<hbm>> -> memref<1x6400xi32, #tpu.memory_space<hbm>>
      %dma_start3A_83 = tpu.memref_squeeze %dma_start3A_82 : memref<1x6400xi32, #tpu.memory_space<hbm>> -> memref<6400xi32, #tpu.memory_space<hbm>>
      %dma_start3A_84 = arith.constant 0 : i32
      %dma_start3A_85 = tpu.memref_slice %arg3[%add3A, %dma_start3A_84] : memref<32x6400xi32, #tpu.memory_space<hbm>> -> memref<1x6400xi32, #tpu.memory_space<hbm>>
      %dma_start3A_86 = tpu.memref_squeeze %dma_start3A_85 : memref<1x6400xi32, #tpu.memory_space<hbm>> -> memref<6400xi32, #tpu.memory_space<hbm>>
      tpu.enqueue_dma source(%dma_start3A_86 : memref<6400xi32, #tpu.memory_space<hbm>>) target(%arg10 : memref<6400xi32, #tpu.memory_space<vmem>>) target_semaphore(%run_scoped3A : memref<!tpu.dma_semaphore, #tpu.memory_space<semaphore_mem>>)
      %dma_wait3A_87 = arith.constant 0 : i32
      %dma_wait3A_88 = tpu.memref_slice %arg3[%add3A, %dma_wait3A_87] : memref<32x6400xi32, #tpu.memory_space<hbm>> -> memref<1x6400xi32, #tpu.memory_space<hbm>>
      %dma_wait3A_89 = tpu.memref_squeeze %dma_wait3A_88 : memref<1x6400xi32, #tpu.memory_space<hbm>> -> memref<6400xi32, #tpu.memory_space<hbm>>
      %dma_wait3A_90 = arith.constant 0 : i32
      %dma_wait3A_91 = tpu.memref_slice %arg3[%add3A, %dma_wait3A_90] : memref<32x6400xi32, #tpu.memory_space<hbm>> -> memref<1x6400xi32, #tpu.memory_space<hbm>>
      %dma_wait3A_92 = tpu.memref_squeeze %dma_wait3A_91 : memref<1x6400xi32, #tpu.memory_space<hbm>> -> memref<6400xi32, #tpu.memory_space<hbm>>
      tpu.wait_dma2 semaphore(%run_scoped3A : memref<!tpu.dma_semaphore, #tpu.memory_space<semaphore_mem>>) src(%dma_wait3A_92 : memref<6400xi32, #tpu.memory_space<hbm>>) dst(%arg10 : memref<6400xi32, #tpu.memory_space<vmem>>)
      tpu.yield
    }) : () -> ()
    %iota3A = tpu.iota {dimensions = array<i32: 0>} : vector<16xi32>
    %xor3A = arith.constant 1 : i32
    %xor3A_3 = vector.broadcast %xor3A : i32 to vector<16xi32>
    %xor3A_4 = arith.xori %iota3A, %xor3A_3 : vector<16xi32>
    %reshape3A = vector.shape_cast %xor3A_4 : vector<16xi32> to vector<16x1xi32>
    %xor3A_5 = arith.constant 2 : i32
    %xor3A_6 = vector.broadcast %xor3A_5 : i32 to vector<16xi32>
    %xor3A_7 = arith.xori %iota3A, %xor3A_6 : vector<16xi32>
    %reshape3A_8 = vector.shape_cast %xor3A_7 : vector<16xi32> to vector<16x1xi32>
    %xor3A_9 = arith.constant 4 : i32
    %xor3A_10 = vector.broadcast %xor3A_9 : i32 to vector<16xi32>
    %xor3A_11 = arith.xori %iota3A, %xor3A_10 : vector<16xi32>
    %reshape3A_12 = vector.shape_cast %xor3A_11 : vector<16xi32> to vector<16x1xi32>
    %xor3A_13 = arith.constant 8 : i32
    %xor3A_14 = vector.broadcast %xor3A_13 : i32 to vector<16xi32>
    %xor3A_15 = arith.xori %iota3A, %xor3A_14 : vector<16xi32>
    %reshape3A_16 = vector.shape_cast %xor3A_15 : vector<16xi32> to vector<16x1xi32>
    %dma_start3A = arith.constant 0 : i32
    %dma_start3A_17 = arith.constant 0 : i32
    %dma_start3A_18 = arith.constant 0 : i32
    %dma_start3A_19 = arith.constant 0 : i32
    %dma_start3A_20 = tpu.memref_slice %arg11[%dma_start3A, %dma_start3A_18, %dma_start3A_19] : memref<2x128x128xf32, #tpu.memory_space<vmem>> -> memref<1x128x128xf32, #tpu.memory_space<vmem>>
    %dma_start3A_21 = tpu.memref_squeeze %dma_start3A_20 : memref<1x128x128xf32, #tpu.memory_space<vmem>> -> memref<128x128xf32, #tpu.memory_space<vmem>>
    %dma_start3A_22 = arith.constant 0 : i32
    %dma_start3A_23 = tpu.memref_slice %arg9[%dma_start3A_22] : memref<6400xi32, #tpu.memory_space<vmem>> -> memref<128xi32, #tpu.memory_space<vmem>>
    %dma_start3A_24 = arith.constant 0 : i32
    %dma_start3A_25 = arith.constant 0 : i32
    %dma_start3A_26 = tpu.memref_slice %arg4[%dma_start3A_24, %dma_start3A_25] : memref<100000x128xf32, #tpu.memory_space<hbm>> -> memref<100000x128xf32, #tpu.memory_space<hbm>>
    %dma_start3A_27 = tpu.memref_slice %arg16[%dma_start3A_17] : memref<2x!tpu.dma_semaphore, #tpu.memory_space<semaphore_mem>> -> memref<1x!tpu.dma_semaphore, #tpu.memory_space<semaphore_mem>>
    %dma_start3A_28 = tpu.memref_squeeze %dma_start3A_27 : memref<1x!tpu.dma_semaphore, #tpu.memory_space<semaphore_mem>> -> memref<!tpu.dma_semaphore, #tpu.memory_space<semaphore_mem>>
    tpu.enqueue_indirect_dma source(%dma_start3A_26 : memref<100000x128xf32, #tpu.memory_space<hbm>>) target(%dma_start3A_21 : memref<128x128xf32, #tpu.memory_space<vmem>>) offsets(%dma_start3A_23 : memref<128xi32, #tpu.memory_space<vmem>>) semaphore(%dma_start3A_28 : memref<!tpu.dma_semaphore, #tpu.memory_space<semaphore_mem>>)
    %dma_start3A_29 = arith.constant 0 : i32
    %dma_start3A_30 = arith.constant 0 : i32
    %dma_start3A_31 = arith.constant 0 : i32
    %dma_start3A_32 = arith.constant 0 : i32
    %dma_start3A_33 = tpu.memref_slice %arg12[%dma_start3A_29, %dma_start3A_31, %dma_start3A_32] : memref<2x128x128xf32, #tpu.memory_space<vmem>> -> memref<1x128x128xf32, #tpu.memory_space<vmem>>
    %dma_start3A_34 = tpu.memref_squeeze %dma_start3A_33 : memref<1x128x128xf32, #tpu.memory_space<vmem>> -> memref<128x128xf32, #tpu.memory_space<vmem>>
    %dma_start3A_35 = arith.constant 0 : i32
    %dma_start3A_36 = tpu.memref_slice %arg10[%dma_start3A_35] : memref<6400xi32, #tpu.memory_space<vmem>> -> memref<128xi32, #tpu.memory_space<vmem>>
    %dma_start3A_37 = arith.constant 0 : i32
    %dma_start3A_38 = arith.constant 0 : i32
    %dma_start3A_39 = tpu.memref_slice %arg5[%dma_start3A_37, %dma_start3A_38] : memref<1024x128xf32, #tpu.memory_space<hbm>> -> memref<1024x128xf32, #tpu.memory_space<hbm>>
    %dma_start3A_40 = tpu.memref_slice %arg17[%dma_start3A_30] : memref<2x!tpu.dma_semaphore, #tpu.memory_space<semaphore_mem>> -> memref<1x!tpu.dma_semaphore, #tpu.memory_space<semaphore_mem>>
    %dma_start3A_41 = tpu.memref_squeeze %dma_start3A_40 : memref<1x!tpu.dma_semaphore, #tpu.memory_space<semaphore_mem>> -> memref<!tpu.dma_semaphore, #tpu.memory_space<semaphore_mem>>
    tpu.enqueue_indirect_dma source(%dma_start3A_39 : memref<1024x128xf32, #tpu.memory_space<hbm>>) target(%dma_start3A_34 : memref<128x128xf32, #tpu.memory_space<vmem>>) offsets(%dma_start3A_36 : memref<128xi32, #tpu.memory_space<vmem>>) semaphore(%dma_start3A_41 : memref<!tpu.dma_semaphore, #tpu.memory_space<semaphore_mem>>)
    %scan3A = arith.constant 0 : i32
    %scan3A_42 = arith.constant 25 : i32
    %scan3A_43 = arith.addi %scan3A, %scan3A_42 : i32
    %scan3A_44 = arith.constant 1 : i32
    scf.for %scan3A_81 = %scan3A to %scan3A_43 step %scan3A_44  : i32 {
      %mul3A_82 = arith.constant 2 : i32
      %mul3A_83 = arith.muli %scan3A_81, %mul3A_82 : i32
      %add3A_84 = arith.constant 0 : i32
      %add3A_85 = arith.addi %mul3A_83, %add3A_84 : i32
      %add3A_86 = arith.constant 1 : i32
      %add3A_87 = arith.addi %add3A_85, %add3A_86 : i32
      %lt3A = arith.constant 50 : i32
      %lt3A_88 = arith.cmpi slt, %add3A_87, %lt3A : i32
      %convert_element_type3A = arith.extui %lt3A_88 : i1 to i32
      %cond3A = arith.constant 0 : i32
      %cond3A_89 = arith.cmpi ne, %convert_element_type3A, %cond3A : i32
      scf.if %cond3A_89 {
        %add3A_218 = arith.constant 1 : i32
        %add3A_219 = arith.addi %add3A_85, %add3A_218 : i32
        %mul3A_220 = arith.constant 128 : i32
        %mul3A_221 = arith.muli %add3A_219, %mul3A_220 : i32
        %dma_start3A_222 = arith.constant 1 : i32
        %dma_start3A_223 = arith.constant 1 : i32
        %dma_start3A_224 = arith.constant 0 : i32
        %dma_start3A_225 = arith.constant 0 : i32
        %dma_start3A_226 = tpu.memref_slice %arg11[%dma_start3A_222, %dma_start3A_224, %dma_start3A_225] : memref<2x128x128xf32, #tpu.memory_space<vmem>> -> memref<1x128x128xf32, #tpu.memory_space<vmem>>
        %dma_start3A_227 = tpu.memref_squeeze %dma_start3A_226 : memref<1x128x128xf32, #tpu.memory_space<vmem>> -> memref<128x128xf32, #tpu.memory_space<vmem>>
        %dma_start3A_228 = tpu.memref_slice %arg9[%mul3A_221] : memref<6400xi32, #tpu.memory_space<vmem>> -> memref<128xi32, #tpu.memory_space<vmem>>
        %dma_start3A_229 = arith.constant 0 : i32
        %dma_start3A_230 = arith.constant 0 : i32
        %dma_start3A_231 = tpu.memref_slice %arg4[%dma_start3A_229, %dma_start3A_230] : memref<100000x128xf32, #tpu.memory_space<hbm>> -> memref<100000x128xf32, #tpu.memory_space<hbm>>
        %dma_start3A_232 = tpu.memref_slice %arg16[%dma_start3A_223] : memref<2x!tpu.dma_semaphore, #tpu.memory_space<semaphore_mem>> -> memref<1x!tpu.dma_semaphore, #tpu.memory_space<semaphore_mem>>
        %dma_start3A_233 = tpu.memref_squeeze %dma_start3A_232 : memref<1x!tpu.dma_semaphore, #tpu.memory_space<semaphore_mem>> -> memref<!tpu.dma_semaphore, #tpu.memory_space<semaphore_mem>>
        tpu.enqueue_indirect_dma source(%dma_start3A_231 : memref<100000x128xf32, #tpu.memory_space<hbm>>) target(%dma_start3A_227 : memref<128x128xf32, #tpu.memory_space<vmem>>) offsets(%dma_start3A_228 : memref<128xi32, #tpu.memory_space<vmem>>) semaphore(%dma_start3A_233 : memref<!tpu.dma_semaphore, #tpu.memory_space<semaphore_mem>>)
      } else {
      }
      %add3A_90 = arith.constant 1 : i32
      %add3A_91 = arith.addi %add3A_85, %add3A_90 : i32
      %lt3A_92 = arith.constant 50 : i32
      %lt3A_93 = arith.cmpi slt, %add3A_91, %lt3A_92 : i32
      %convert_element_type3A_94 = arith.extui %lt3A_93 : i1 to i32
      %cond3A_95 = arith.constant 0 : i32
      %cond3A_96 = arith.cmpi ne, %convert_element_type3A_94, %cond3A_95 : i32
      scf.if %cond3A_96 {
        %add3A_218 = arith.constant 1 : i32
        %add3A_219 = arith.addi %add3A_85, %add3A_218 : i32
        %mul3A_220 = arith.constant 128 : i32
        %mul3A_221 = arith.muli %add3A_219, %mul3A_220 : i32
        %dma_start3A_222 = arith.constant 1 : i32
        %dma_start3A_223 = arith.constant 1 : i32
        %dma_start3A_224 = arith.constant 0 : i32
        %dma_start3A_225 = arith.constant 0 : i32
        %dma_start3A_226 = tpu.memref_slice %arg12[%dma_start3A_222, %dma_start3A_224, %dma_start3A_225] : memref<2x128x128xf32, #tpu.memory_space<vmem>> -> memref<1x128x128xf32, #tpu.memory_space<vmem>>
        %dma_start3A_227 = tpu.memref_squeeze %dma_start3A_226 : memref<1x128x128xf32, #tpu.memory_space<vmem>> -> memref<128x128xf32, #tpu.memory_space<vmem>>
        %dma_start3A_228 = tpu.memref_slice %arg10[%mul3A_221] : memref<6400xi32, #tpu.memory_space<vmem>> -> memref<128xi32, #tpu.memory_space<vmem>>
        %dma_start3A_229 = arith.constant 0 : i32
        %dma_start3A_230 = arith.constant 0 : i32
        %dma_start3A_231 = tpu.memref_slice %arg5[%dma_start3A_229, %dma_start3A_230] : memref<1024x128xf32, #tpu.memory_space<hbm>> -> memref<1024x128xf32, #tpu.memory_space<hbm>>
        %dma_start3A_232 = tpu.memref_slice %arg17[%dma_start3A_223] : memref<2x!tpu.dma_semaphore, #tpu.memory_space<semaphore_mem>> -> memref<1x!tpu.dma_semaphore, #tpu.memory_space<semaphore_mem>>
        %dma_start3A_233 = tpu.memref_squeeze %dma_start3A_232 : memref<1x!tpu.dma_semaphore, #tpu.memory_space<semaphore_mem>> -> memref<!tpu.dma_semaphore, #tpu.memory_space<semaphore_mem>>
        tpu.enqueue_indirect_dma source(%dma_start3A_231 : memref<1024x128xf32, #tpu.memory_space<hbm>>) target(%dma_start3A_227 : memref<128x128xf32, #tpu.memory_space<vmem>>) offsets(%dma_start3A_228 : memref<128xi32, #tpu.memory_space<vmem>>) semaphore(%dma_start3A_233 : memref<!tpu.dma_semaphore, #tpu.memory_space<semaphore_mem>>)
      } else {
      }
      %mul3A_97 = arith.constant 128 : i32
      %mul3A_98 = arith.muli %add3A_85, %mul3A_97 : i32
      %dma_wait3A_99 = arith.constant 0 : i32
      %dma_wait3A_100 = arith.constant 0 : i32
      %dma_wait3A_101 = arith.constant 0 : i32
      %dma_wait3A_102 = arith.constant 0 : i32
      %dma_wait3A_103 = tpu.memref_slice %arg11[%dma_wait3A_99, %dma_wait3A_101, %dma_wait3A_102] : memref<2x128x128xf32, #tpu.memory_space<vmem>> -> memref<1x128x128xf32, #tpu.memory_space<vmem>>
      %dma_wait3A_104 = tpu.memref_squeeze %dma_wait3A_103 : memref<1x128x128xf32, #tpu.memory_space<vmem>> -> memref<128x128xf32, #tpu.memory_space<vmem>>
      %dma_wait3A_105 = tpu.memref_slice %arg9[%mul3A_98] : memref<6400xi32, #tpu.memory_space<vmem>> -> memref<128xi32, #tpu.memory_space<vmem>>
      %dma_wait3A_106 = arith.constant 0 : i32
      %dma_wait3A_107 = arith.constant 0 : i32
      %dma_wait3A_108 = tpu.memref_slice %arg4[%dma_wait3A_106, %dma_wait3A_107] : memref<100000x128xf32, #tpu.memory_space<hbm>> -> memref<100000x128xf32, #tpu.memory_space<hbm>>
      %dma_wait3A_109 = tpu.memref_slice %arg16[%dma_wait3A_100] : memref<2x!tpu.dma_semaphore, #tpu.memory_space<semaphore_mem>> -> memref<1x!tpu.dma_semaphore, #tpu.memory_space<semaphore_mem>>
      %dma_wait3A_110 = tpu.memref_squeeze %dma_wait3A_109 : memref<1x!tpu.dma_semaphore, #tpu.memory_space<semaphore_mem>> -> memref<!tpu.dma_semaphore, #tpu.memory_space<semaphore_mem>>
      tpu.wait_indirect_dma semaphore(%dma_wait3A_110 : memref<!tpu.dma_semaphore, #tpu.memory_space<semaphore_mem>>) src(%dma_wait3A_108 : memref<100000x128xf32, #tpu.memory_space<hbm>>) dst(%dma_wait3A_104 : memref<128x128xf32, #tpu.memory_space<vmem>>)
      %mul3A_111 = arith.constant 128 : i32
      %mul3A_112 = arith.muli %add3A_85, %mul3A_111 : i32
      %dma_wait3A_113 = arith.constant 0 : i32
      %dma_wait3A_114 = arith.constant 0 : i32
      %dma_wait3A_115 = arith.constant 0 : i32
      %dma_wait3A_116 = arith.constant 0 : i32
      %dma_wait3A_117 = tpu.memref_slice %arg12[%dma_wait3A_113, %dma_wait3A_115, %dma_wait3A_116] : memref<2x128x128xf32, #tpu.memory_space<vmem>> -> memref<1x128x128xf32, #tpu.memory_space<vmem>>
      %dma_wait3A_118 = tpu.memref_squeeze %dma_wait3A_117 : memref<1x128x128xf32, #tpu.memory_space<vmem>> -> memref<128x128xf32, #tpu.memory_space<vmem>>
      %dma_wait3A_119 = tpu.memref_slice %arg10[%mul3A_112] : memref<6400xi32, #tpu.memory_space<vmem>> -> memref<128xi32, #tpu.memory_space<vmem>>
      %dma_wait3A_120 = arith.constant 0 : i32
      %dma_wait3A_121 = arith.constant 0 : i32
      %dma_wait3A_122 = tpu.memref_slice %arg5[%dma_wait3A_120, %dma_wait3A_121] : memref<1024x128xf32, #tpu.memory_space<hbm>> -> memref<1024x128xf32, #tpu.memory_space<hbm>>
      %dma_wait3A_123 = tpu.memref_slice %arg17[%dma_wait3A_114] : memref<2x!tpu.dma_semaphore, #tpu.memory_space<semaphore_mem>> -> memref<1x!tpu.dma_semaphore, #tpu.memory_space<semaphore_mem>>
      %dma_wait3A_124 = tpu.memref_squeeze %dma_wait3A_123 : memref<1x!tpu.dma_semaphore, #tpu.memory_space<semaphore_mem>> -> memref<!tpu.dma_semaphore, #tpu.memory_space<semaphore_mem>>
      tpu.wait_indirect_dma semaphore(%dma_wait3A_124 : memref<!tpu.dma_semaphore, #tpu.memory_space<semaphore_mem>>) src(%dma_wait3A_122 : memref<1024x128xf32, #tpu.memory_space<hbm>>) dst(%dma_wait3A_118 : memref<128x128xf32, #tpu.memory_space<vmem>>)
      %ge3A = arith.constant 2 : i32
      %ge3A_125 = arith.cmpi sge, %add3A_85, %ge3A : i32
      %convert_element_type3A_126 = arith.extui %ge3A_125 : i1 to i32
      %cond3A_127 = arith.constant 0 : i32
      %cond3A_128 = arith.cmpi ne, %convert_element_type3A_126, %cond3A_127 : i32
      scf.if %cond3A_128 {
        %sub3A = arith.constant 2 : i32
        %sub3A_218 = arith.subi %add3A_85, %sub3A : i32
        %mul3A_219 = arith.constant 128 : i32
        %mul3A_220 = arith.muli %sub3A_218, %mul3A_219 : i32
        %add3A_221 = arith.addi %mul3A_2, %mul3A_220 : i32
        %dma_wait3A_222 = arith.constant 0 : i32
        %dma_wait3A_223 = arith.constant 0 : i32
        %dma_wait3A_224 = arith.constant 0 : i32
        %dma_wait3A_225 = arith.constant 0 : i32
        %dma_wait3A_226 = tpu.memref_slice %arg13[%dma_wait3A_222, %dma_wait3A_224, %dma_wait3A_225] : memref<2x128x128xf32, #tpu.memory_space<vmem>> -> memref<1x128x128xf32, #tpu.memory_space<vmem>>
        %dma_wait3A_227 = tpu.memref_squeeze %dma_wait3A_226 : memref<1x128x128xf32, #tpu.memory_space<vmem>> -> memref<128x128xf32, #tpu.memory_space<vmem>>
        %dma_wait3A_228 = arith.constant 0 : i32
        %dma_wait3A_229 = tpu.memref_slice %arg8[%add3A_221, %dma_wait3A_228] : memref<204800x128xf32, #tpu.memory_space<hbm>> -> memref<128x128xf32, #tpu.memory_space<hbm>>
        %dma_wait3A_230 = tpu.memref_slice %arg18[%dma_wait3A_223] : memref<2x!tpu.dma_semaphore, #tpu.memory_space<semaphore_mem>> -> memref<1x!tpu.dma_semaphore, #tpu.memory_space<semaphore_mem>>
        %dma_wait3A_231 = tpu.memref_squeeze %dma_wait3A_230 : memref<1x!tpu.dma_semaphore, #tpu.memory_space<semaphore_mem>> -> memref<!tpu.dma_semaphore, #tpu.memory_space<semaphore_mem>>
        %dma_wait3A_232 = arith.constant 0 : i32
        %dma_wait3A_233 = tpu.memref_slice %arg8[%add3A_221, %dma_wait3A_232] : memref<204800x128xf32, #tpu.memory_space<hbm>> -> memref<128x128xf32, #tpu.memory_space<hbm>>
        %dma_wait3A_234 = arith.constant 0 : i32
        %dma_wait3A_235 = arith.constant 0 : i32
        %dma_wait3A_236 = tpu.memref_slice %arg13[%dma_wait3A_222, %dma_wait3A_234, %dma_wait3A_235] : memref<2x128x128xf32, #tpu.memory_space<vmem>> -> memref<1x128x128xf32, #tpu.memory_space<vmem>>
        %dma_wait3A_237 = tpu.memref_squeeze %dma_wait3A_236 : memref<1x128x128xf32, #tpu.memory_space<vmem>> -> memref<128x128xf32, #tpu.memory_space<vmem>>
        tpu.wait_dma2 semaphore(%dma_wait3A_231 : memref<!tpu.dma_semaphore, #tpu.memory_space<semaphore_mem>>) src(%dma_wait3A_237 : memref<128x128xf32, #tpu.memory_space<vmem>>) dst(%dma_wait3A_233 : memref<128x128xf32, #tpu.memory_space<hbm>>)
      } else {
      }
      %mul3A_129 = arith.constant 128 : i32
      %mul3A_130 = arith.muli %add3A_85, %mul3A_129 : i32
      %add3A_131 = arith.addi %mul3A_2, %mul3A_130 : i32
      %dma_start3A_132 = arith.constant 0 : i32
      %dma_start3A_133 = arith.constant 0 : i32
      %dma_start3A_134 = arith.constant 0 : i32
      %dma_start3A_135 = arith.constant 0 : i32
      %dma_start3A_136 = tpu.memref_slice %arg11[%dma_start3A_132, %dma_start3A_134, %dma_start3A_135] : memref<2x128x128xf32, #tpu.memory_space<vmem>> -> memref<1x128x128xf32, #tpu.memory_space<vmem>>
      %dma_start3A_137 = tpu.memref_squeeze %dma_start3A_136 : memref<1x128x128xf32, #tpu.memory_space<vmem>> -> memref<128x128xf32, #tpu.memory_space<vmem>>
      %dma_start3A_138 = arith.constant 0 : i32
      %dma_start3A_139 = tpu.memref_slice %arg8[%add3A_131, %dma_start3A_138] : memref<204800x128xf32, #tpu.memory_space<hbm>> -> memref<128x128xf32, #tpu.memory_space<hbm>>
      %dma_start3A_140 = tpu.memref_slice %arg18[%dma_start3A_133] : memref<2x!tpu.dma_semaphore, #tpu.memory_space<semaphore_mem>> -> memref<1x!tpu.dma_semaphore, #tpu.memory_space<semaphore_mem>>
      %dma_start3A_141 = tpu.memref_squeeze %dma_start3A_140 : memref<1x!tpu.dma_semaphore, #tpu.memory_space<semaphore_mem>> -> memref<!tpu.dma_semaphore, #tpu.memory_space<semaphore_mem>>
      %dma_start3A_142 = arith.constant 0 : i32
      %dma_start3A_143 = tpu.memref_slice %arg8[%add3A_131, %dma_start3A_142] : memref<204800x128xf32, #tpu.memory_space<hbm>> -> memref<128x128xf32, #tpu.memory_space<hbm>>
      %dma_start3A_144 = arith.constant 0 : i32
      %dma_start3A_145 = arith.constant 0 : i32
      %dma_start3A_146 = tpu.memref_slice %arg11[%dma_start3A_132, %dma_start3A_144, %dma_start3A_145] : memref<2x128x128xf32, #tpu.memory_space<vmem>> -> memref<1x128x128xf32, #tpu.memory_space<vmem>>
      %dma_start3A_147 = tpu.memref_squeeze %dma_start3A_146 : memref<1x128x128xf32, #tpu.memory_space<vmem>> -> memref<128x128xf32, #tpu.memory_space<vmem>>
      tpu.enqueue_dma source(%dma_start3A_147 : memref<128x128xf32, #tpu.memory_space<vmem>>) target(%dma_start3A_143 : memref<128x128xf32, #tpu.memory_space<hbm>>) target_semaphore(%dma_start3A_141 : memref<!tpu.dma_semaphore, #tpu.memory_space<semaphore_mem>>)
      %mul3A_148 = arith.constant 2 : i32
      %mul3A_149 = arith.muli %scan3A_81, %mul3A_148 : i32
      %add3A_150 = arith.constant 1 : i32
      %add3A_151 = arith.addi %mul3A_149, %add3A_150 : i32
      %add3A_152 = arith.constant 1 : i32
      %add3A_153 = arith.addi %add3A_151, %add3A_152 : i32
      %lt3A_154 = arith.constant 50 : i32
      %lt3A_155 = arith.cmpi slt, %add3A_153, %lt3A_154 : i32
      %convert_element_type3A_156 = arith.extui %lt3A_155 : i1 to i32
      %cond3A_157 = arith.constant 0 : i32
      %cond3A_158 = arith.cmpi ne, %convert_element_type3A_156, %cond3A_157 : i32
      scf.if %cond3A_158 {
        %add3A_218 = arith.constant 1 : i32
        %add3A_219 = arith.addi %add3A_151, %add3A_218 : i32
        %mul3A_220 = arith.constant 128 : i32
        %mul3A_221 = arith.muli %add3A_219, %mul3A_220 : i32
        %dma_start3A_222 = arith.constant 0 : i32
        %dma_start3A_223 = arith.constant 0 : i32
        %dma_start3A_224 = arith.constant 0 : i32
        %dma_start3A_225 = arith.constant 0 : i32
        %dma_start3A_226 = tpu.memref_slice %arg11[%dma_start3A_222, %dma_start3A_224, %dma_start3A_225] : memref<2x128x128xf32, #tpu.memory_space<vmem>> -> memref<1x128x128xf32, #tpu.memory_space<vmem>>
        %dma_start3A_227 = tpu.memref_squeeze %dma_start3A_226 : memref<1x128x128xf32, #tpu.memory_space<vmem>> -> memref<128x128xf32, #tpu.memory_space<vmem>>
        %dma_start3A_228 = tpu.memref_slice %arg9[%mul3A_221] : memref<6400xi32, #tpu.memory_space<vmem>> -> memref<128xi32, #tpu.memory_space<vmem>>
        %dma_start3A_229 = arith.constant 0 : i32
        %dma_start3A_230 = arith.constant 0 : i32
        %dma_start3A_231 = tpu.memref_slice %arg4[%dma_start3A_229, %dma_start3A_230] : memref<100000x128xf32, #tpu.memory_space<hbm>> -> memref<100000x128xf32, #tpu.memory_space<hbm>>
        %dma_start3A_232 = tpu.memref_slice %arg16[%dma_start3A_223] : memref<2x!tpu.dma_semaphore, #tpu.memory_space<semaphore_mem>> -> memref<1x!tpu.dma_semaphore, #tpu.memory_space<semaphore_mem>>
        %dma_start3A_233 = tpu.memref_squeeze %dma_start3A_232 : memref<1x!tpu.dma_semaphore, #tpu.memory_space<semaphore_mem>> -> memref<!tpu.dma_semaphore, #tpu.memory_space<semaphore_mem>>
        tpu.enqueue_indirect_dma source(%dma_start3A_231 : memref<100000x128xf32, #tpu.memory_space<hbm>>) target(%dma_start3A_227 : memref<128x128xf32, #tpu.memory_space<vmem>>) offsets(%dma_start3A_228 : memref<128xi32, #tpu.memory_space<vmem>>) semaphore(%dma_start3A_233 : memref<!tpu.dma_semaphore, #tpu.memory_space<semaphore_mem>>)
      } else {
      }
      %add3A_159 = arith.constant 1 : i32
      %add3A_160 = arith.addi %add3A_151, %add3A_159 : i32
      %lt3A_161 = arith.constant 50 : i32
      %lt3A_162 = arith.cmpi slt, %add3A_160, %lt3A_161 : i32
      %convert_element_type3A_163 = arith.extui %lt3A_162 : i1 to i32
      %cond3A_164 = arith.constant 0 : i32
      %cond3A_165 = arith.cmpi ne, %convert_element_type3A_163, %cond3A_164 : i32
      scf.if %cond3A_165 {
        %add3A_218 = arith.constant 1 : i32
        %add3A_219 = arith.addi %add3A_151, %add3A_218 : i32
        %mul3A_220 = arith.constant 128 : i32
        %mul3A_221 = arith.muli %add3A_219, %mul3A_220 : i32
        %dma_start3A_222 = arith.constant 0 : i32
        %dma_start3A_223 = arith.constant 0 : i32
        %dma_start3A_224 = arith.constant 0 : i32
        %dma_start3A_225 = arith.constant 0 : i32
        %dma_start3A_226 = tpu.memref_slice %arg12[%dma_start3A_222, %dma_start3A_224, %dma_start3A_225] : memref<2x128x128xf32, #tpu.memory_space<vmem>> -> memref<1x128x128xf32, #tpu.memory_space<vmem>>
        %dma_start3A_227 = tpu.memref_squeeze %dma_start3A_226 : memref<1x128x128xf32, #tpu.memory_space<vmem>> -> memref<128x128xf32, #tpu.memory_space<vmem>>
        %dma_start3A_228 = tpu.memref_slice %arg10[%mul3A_221] : memref<6400xi32, #tpu.memory_space<vmem>> -> memref<128xi32, #tpu.memory_space<vmem>>
        %dma_start3A_229 = arith.constant 0 : i32
        %dma_start3A_230 = arith.constant 0 : i32
        %dma_start3A_231 = tpu.memref_slice %arg5[%dma_start3A_229, %dma_start3A_230] : memref<1024x128xf32, #tpu.memory_space<hbm>> -> memref<1024x128xf32, #tpu.memory_space<hbm>>
        %dma_start3A_232 = tpu.memref_slice %arg17[%dma_start3A_223] : memref<2x!tpu.dma_semaphore, #tpu.memory_space<semaphore_mem>> -> memref<1x!tpu.dma_semaphore, #tpu.memory_space<semaphore_mem>>
        %dma_start3A_233 = tpu.memref_squeeze %dma_start3A_232 : memref<1x!tpu.dma_semaphore, #tpu.memory_space<semaphore_mem>> -> memref<!tpu.dma_semaphore, #tpu.memory_space<semaphore_mem>>
        tpu.enqueue_indirect_dma source(%dma_start3A_231 : memref<1024x128xf32, #tpu.memory_space<hbm>>) target(%dma_start3A_227 : memref<128x128xf32, #tpu.memory_space<vmem>>) offsets(%dma_start3A_228 : memref<128xi32, #tpu.memory_space<vmem>>) semaphore(%dma_start3A_233 : memref<!tpu.dma_semaphore, #tpu.memory_space<semaphore_mem>>)
      } else {
      }
      %mul3A_166 = arith.constant 128 : i32
      %mul3A_167 = arith.muli %add3A_151, %mul3A_166 : i32
      %dma_wait3A_168 = arith.constant 1 : i32
      %dma_wait3A_169 = arith.constant 1 : i32
      %dma_wait3A_170 = arith.constant 0 : i32
      %dma_wait3A_171 = arith.constant 0 : i32
      %dma_wait3A_172 = tpu.memref_slice %arg11[%dma_wait3A_168, %dma_wait3A_170, %dma_wait3A_171] : memref<2x128x128xf32, #tpu.memory_space<vmem>> -> memref<1x128x128xf32, #tpu.memory_space<vmem>>
      %dma_wait3A_173 = tpu.memref_squeeze %dma_wait3A_172 : memref<1x128x128xf32, #tpu.memory_space<vmem>> -> memref<128x128xf32, #tpu.memory_space<vmem>>
      %dma_wait3A_174 = tpu.memref_slice %arg9[%mul3A_167] : memref<6400xi32, #tpu.memory_space<vmem>> -> memref<128xi32, #tpu.memory_space<vmem>>
      %dma_wait3A_175 = arith.constant 0 : i32
      %dma_wait3A_176 = arith.constant 0 : i32
      %dma_wait3A_177 = tpu.memref_slice %arg4[%dma_wait3A_175, %dma_wait3A_176] : memref<100000x128xf32, #tpu.memory_space<hbm>> -> memref<100000x128xf32, #tpu.memory_space<hbm>>
      %dma_wait3A_178 = tpu.memref_slice %arg16[%dma_wait3A_169] : memref<2x!tpu.dma_semaphore, #tpu.memory_space<semaphore_mem>> -> memref<1x!tpu.dma_semaphore, #tpu.memory_space<semaphore_mem>>
      %dma_wait3A_179 = tpu.memref_squeeze %dma_wait3A_178 : memref<1x!tpu.dma_semaphore, #tpu.memory_space<semaphore_mem>> -> memref<!tpu.dma_semaphore, #tpu.memory_space<semaphore_mem>>
      tpu.wait_indirect_dma semaphore(%dma_wait3A_179 : memref<!tpu.dma_semaphore, #tpu.memory_space<semaphore_mem>>) src(%dma_wait3A_177 : memref<100000x128xf32, #tpu.memory_space<hbm>>) dst(%dma_wait3A_173 : memref<128x128xf32, #tpu.memory_space<vmem>>)
      %mul3A_180 = arith.constant 128 : i32
      %mul3A_181 = arith.muli %add3A_151, %mul3A_180 : i32
      %dma_wait3A_182 = arith.constant 1 : i32
      %dma_wait3A_183 = arith.constant 1 : i32
      %dma_wait3A_184 = arith.constant 0 : i32
      %dma_wait3A_185 = arith.constant 0 : i32
      %dma_wait3A_186 = tpu.memref_slice %arg12[%dma_wait3A_182, %dma_wait3A_184, %dma_wait3A_185] : memref<2x128x128xf32, #tpu.memory_space<vmem>> -> memref<1x128x128xf32, #tpu.memory_space<vmem>>
      %dma_wait3A_187 = tpu.memref_squeeze %dma_wait3A_186 : memref<1x128x128xf32, #tpu.memory_space<vmem>> -> memref<128x128xf32, #tpu.memory_space<vmem>>
      %dma_wait3A_188 = tpu.memref_slice %arg10[%mul3A_181] : memref<6400xi32, #tpu.memory_space<vmem>> -> memref<128xi32, #tpu.memory_space<vmem>>
      %dma_wait3A_189 = arith.constant 0 : i32
      %dma_wait3A_190 = arith.constant 0 : i32
      %dma_wait3A_191 = tpu.memref_slice %arg5[%dma_wait3A_189, %dma_wait3A_190] : memref<1024x128xf32, #tpu.memory_space<hbm>> -> memref<1024x128xf32, #tpu.memory_space<hbm>>
      %dma_wait3A_192 = tpu.memref_slice %arg17[%dma_wait3A_183] : memref<2x!tpu.dma_semaphore, #tpu.memory_space<semaphore_mem>> -> memref<1x!tpu.dma_semaphore, #tpu.memory_space<semaphore_mem>>
      %dma_wait3A_193 = tpu.memref_squeeze %dma_wait3A_192 : memref<1x!tpu.dma_semaphore, #tpu.memory_space<semaphore_mem>> -> memref<!tpu.dma_semaphore, #tpu.memory_space<semaphore_mem>>
      tpu.wait_indirect_dma semaphore(%dma_wait3A_193 : memref<!tpu.dma_semaphore, #tpu.memory_space<semaphore_mem>>) src(%dma_wait3A_191 : memref<1024x128xf32, #tpu.memory_space<hbm>>) dst(%dma_wait3A_187 : memref<128x128xf32, #tpu.memory_space<vmem>>)
      %ge3A_194 = arith.constant 2 : i32
      %ge3A_195 = arith.cmpi sge, %add3A_151, %ge3A_194 : i32
      %convert_element_type3A_196 = arith.extui %ge3A_195 : i1 to i32
      %cond3A_197 = arith.constant 0 : i32
      %cond3A_198 = arith.cmpi ne, %convert_element_type3A_196, %cond3A_197 : i32
      scf.if %cond3A_198 {
        %sub3A = arith.constant 2 : i32
        %sub3A_218 = arith.subi %add3A_151, %sub3A : i32
        %mul3A_219 = arith.constant 128 : i32
        %mul3A_220 = arith.muli %sub3A_218, %mul3A_219 : i32
        %add3A_221 = arith.addi %mul3A_2, %mul3A_220 : i32
        %dma_wait3A_222 = arith.constant 1 : i32
        %dma_wait3A_223 = arith.constant 1 : i32
        %dma_wait3A_224 = arith.constant 0 : i32
        %dma_wait3A_225 = arith.constant 0 : i32
        %dma_wait3A_226 = tpu.memref_slice %arg13[%dma_wait3A_222, %dma_wait3A_224, %dma_wait3A_225] : memref<2x128x128xf32, #tpu.memory_space<vmem>> -> memref<1x128x128xf32, #tpu.memory_space<vmem>>
        %dma_wait3A_227 = tpu.memref_squeeze %dma_wait3A_226 : memref<1x128x128xf32, #tpu.memory_space<vmem>> -> memref<128x128xf32, #tpu.memory_space<vmem>>
        %dma_wait3A_228 = arith.constant 0 : i32
        %dma_wait3A_229 = tpu.memref_slice %arg8[%add3A_221, %dma_wait3A_228] : memref<204800x128xf32, #tpu.memory_space<hbm>> -> memref<128x128xf32, #tpu.memory_space<hbm>>
        %dma_wait3A_230 = tpu.memref_slice %arg18[%dma_wait3A_223] : memref<2x!tpu.dma_semaphore, #tpu.memory_space<semaphore_mem>> -> memref<1x!tpu.dma_semaphore, #tpu.memory_space<semaphore_mem>>
        %dma_wait3A_231 = tpu.memref_squeeze %dma_wait3A_230 : memref<1x!tpu.dma_semaphore, #tpu.memory_space<semaphore_mem>> -> memref<!tpu.dma_semaphore, #tpu.memory_space<semaphore_mem>>
        %dma_wait3A_232 = arith.constant 0 : i32
        %dma_wait3A_233 = tpu.memref_slice %arg8[%add3A_221, %dma_wait3A_232] : memref<204800x128xf32, #tpu.memory_space<hbm>> -> memref<128x128xf32, #tpu.memory_space<hbm>>
        %dma_wait3A_234 = arith.constant 0 : i32
        %dma_wait3A_235 = arith.constant 0 : i32
        %dma_wait3A_236 = tpu.memref_slice %arg13[%dma_wait3A_222, %dma_wait3A_234, %dma_wait3A_235] : memref<2x128x128xf32, #tpu.memory_space<vmem>> -> memref<1x128x128xf32, #tpu.memory_space<vmem>>
        %dma_wait3A_237 = tpu.memref_squeeze %dma_wait3A_236 : memref<1x128x128xf32, #tpu.memory_space<vmem>> -> memref<128x128xf32, #tpu.memory_space<vmem>>
        tpu.wait_dma2 semaphore(%dma_wait3A_231 : memref<!tpu.dma_semaphore, #tpu.memory_space<semaphore_mem>>) src(%dma_wait3A_237 : memref<128x128xf32, #tpu.memory_space<vmem>>) dst(%dma_wait3A_233 : memref<128x128xf32, #tpu.memory_space<hbm>>)
      } else {
      }
      %mul3A_199 = arith.constant 128 : i32
      %mul3A_200 = arith.muli %add3A_151, %mul3A_199 : i32
      %add3A_201 = arith.addi %mul3A_2, %mul3A_200 : i32
      %dma_start3A_202 = arith.constant 1 : i32
      %dma_start3A_203 = arith.constant 1 : i32
      %dma_start3A_204 = arith.constant 0 : i32
      %dma_start3A_205 = arith.constant 0 : i32
      %dma_start3A_206 = tpu.memref_slice %arg11[%dma_start3A_202, %dma_start3A_204, %dma_start3A_205] : memref<2x128x128xf32, #tpu.memory_space<vmem>> -> memref<1x128x128xf32, #tpu.memory_space<vmem>>
      %dma_start3A_207 = tpu.memref_squeeze %dma_start3A_206 : memref<1x128x128xf32, #tpu.memory_space<vmem>> -> memref<128x128xf32, #tpu.memory_space<vmem>>
      %dma_start3A_208 = arith.constant 0 : i32
      %dma_start3A_209 = tpu.memref_slice %arg8[%add3A_201, %dma_start3A_208] : memref<204800x128xf32, #tpu.memory_space<hbm>> -> memref<128x128xf32, #tpu.memory_space<hbm>>
      %dma_start3A_210 = tpu.memref_slice %arg18[%dma_start3A_203] : memref<2x!tpu.dma_semaphore, #tpu.memory_space<semaphore_mem>> -> memref<1x!tpu.dma_semaphore, #tpu.memory_space<semaphore_mem>>
      %dma_start3A_211 = tpu.memref_squeeze %dma_start3A_210 : memref<1x!tpu.dma_semaphore, #tpu.memory_space<semaphore_mem>> -> memref<!tpu.dma_semaphore, #tpu.memory_space<semaphore_mem>>
      %dma_start3A_212 = arith.constant 0 : i32
      %dma_start3A_213 = tpu.memref_slice %arg8[%add3A_201, %dma_start3A_212] : memref<204800x128xf32, #tpu.memory_space<hbm>> -> memref<128x128xf32, #tpu.memory_space<hbm>>
      %dma_start3A_214 = arith.constant 0 : i32
      %dma_start3A_215 = arith.constant 0 : i32
      %dma_start3A_216 = tpu.memref_slice %arg11[%dma_start3A_202, %dma_start3A_214, %dma_start3A_215] : memref<2x128x128xf32, #tpu.memory_space<vmem>> -> memref<1x128x128xf32, #tpu.memory_space<vmem>>
      %dma_start3A_217 = tpu.memref_squeeze %dma_start3A_216 : memref<1x128x128xf32, #tpu.memory_space<vmem>> -> memref<128x128xf32, #tpu.memory_space<vmem>>
      tpu.enqueue_dma source(%dma_start3A_217 : memref<128x128xf32, #tpu.memory_space<vmem>>) target(%dma_start3A_213 : memref<128x128xf32, #tpu.memory_space<hbm>>) target_semaphore(%dma_start3A_211 : memref<!tpu.dma_semaphore, #tpu.memory_space<semaphore_mem>>)
    }
    %scan3A_45 = arith.constant 25 : i32
    %add3A_46 = arith.constant 6144 : i32
    %add3A_47 = arith.addi %mul3A_2, %add3A_46 : i32
    %dma_wait3A = arith.constant 0 : i32
    %dma_wait3A_48 = arith.constant 0 : i32
    %dma_wait3A_49 = arith.constant 0 : i32
    %dma_wait3A_50 = arith.constant 0 : i32
    %dma_wait3A_51 = tpu.memref_slice %arg13[%dma_wait3A, %dma_wait3A_49, %dma_wait3A_50] : memref<2x128x128xf32, #tpu.memory_space<vmem>> -> memref<1x128x128xf32, #tpu.memory_space<vmem>>
    %dma_wait3A_52 = tpu.memref_squeeze %dma_wait3A_51 : memref<1x128x128xf32, #tpu.memory_space<vmem>> -> memref<128x128xf32, #tpu.memory_space<vmem>>
    %dma_wait3A_53 = arith.constant 0 : i32
    %dma_wait3A_54 = tpu.memref_slice %arg8[%add3A_47, %dma_wait3A_53] : memref<204800x128xf32, #tpu.memory_space<hbm>> -> memref<128x128xf32, #tpu.memory_space<hbm>>
    %dma_wait3A_55 = tpu.memref_slice %arg18[%dma_wait3A_48] : memref<2x!tpu.dma_semaphore, #tpu.memory_space<semaphore_mem>> -> memref<1x!tpu.dma_semaphore, #tpu.memory_space<semaphore_mem>>
    %dma_wait3A_56 = tpu.memref_squeeze %dma_wait3A_55 : memref<1x!tpu.dma_semaphore, #tpu.memory_space<semaphore_mem>> -> memref<!tpu.dma_semaphore, #tpu.memory_space<semaphore_mem>>
    %dma_wait3A_57 = arith.constant 0 : i32
    %dma_wait3A_58 = tpu.memref_slice %arg8[%add3A_47, %dma_wait3A_57] : memref<204800x128xf32, #tpu.memory_space<hbm>> -> memref<128x128xf32, #tpu.memory_space<hbm>>
    %dma_wait3A_59 = arith.constant 0 : i32
    %dma_wait3A_60 = arith.constant 0 : i32
    %dma_wait3A_61 = tpu.memref_slice %arg13[%dma_wait3A, %dma_wait3A_59, %dma_wait3A_60] : memref<2x128x128xf32, #tpu.memory_space<vmem>> -> memref<1x128x128xf32, #tpu.memory_space<vmem>>
    %dma_wait3A_62 = tpu.memref_squeeze %dma_wait3A_61 : memref<1x128x128xf32, #tpu.memory_space<vmem>> -> memref<128x128xf32, #tpu.memory_space<vmem>>
    tpu.wait_dma2 semaphore(%dma_wait3A_56 : memref<!tpu.dma_semaphore, #tpu.memory_space<semaphore_mem>>) src(%dma_wait3A_62 : memref<128x128xf32, #tpu.memory_space<vmem>>) dst(%dma_wait3A_58 : memref<128x128xf32, #tpu.memory_space<hbm>>)
    %add3A_63 = arith.constant 6272 : i32
    %add3A_64 = arith.addi %mul3A_2, %add3A_63 : i32
    %dma_wait3A_65 = arith.constant 1 : i32
    %dma_wait3A_66 = arith.constant 1 : i32
    %dma_wait3A_67 = arith.constant 0 : i32
    %dma_wait3A_68 = arith.constant 0 : i32
    %dma_wait3A_69 = tpu.memref_slice %arg13[%dma_wait3A_65, %dma_wait3A_67, %dma_wait3A_68] : memref<2x128x128xf32, #tpu.memory_space<vmem>> -> memref<1x128x128xf32, #tpu.memory_space<vmem>>
    %dma_wait3A_70 = tpu.memref_squeeze %dma_wait3A_69 : memref<1x128x128xf32, #tpu.memory_space<vmem>> -> memref<128x128xf32, #tpu.memory_space<vmem>>
    %dma_wait3A_71 = arith.constant 0 : i32
    %dma_wait3A_72 = tpu.memref_slice %arg8[%add3A_64, %dma_wait3A_71] : memref<204800x128xf32, #tpu.memory_space<hbm>> -> memref<128x128xf32, #tpu.memory_space<hbm>>
    %dma_wait3A_73 = tpu.memref_slice %arg18[%dma_wait3A_66] : memref<2x!tpu.dma_semaphore, #tpu.memory_space<semaphore_mem>> -> memref<1x!tpu.dma_semaphore, #tpu.memory_space<semaphore_mem>>
    %dma_wait3A_74 = tpu.memref_squeeze %dma_wait3A_73 : memref<1x!tpu.dma_semaphore, #tpu.memory_space<semaphore_mem>> -> memref<!tpu.dma_semaphore, #tpu.memory_space<semaphore_mem>>
    %dma_wait3A_75 = arith.constant 0 : i32
    %dma_wait3A_76 = tpu.memref_slice %arg8[%add3A_64, %dma_wait3A_75] : memref<204800x128xf32, #tpu.memory_space<hbm>> -> memref<128x128xf32, #tpu.memory_space<hbm>>
    %dma_wait3A_77 = arith.constant 0 : i32
    %dma_wait3A_78 = arith.constant 0 : i32
    %dma_wait3A_79 = tpu.memref_slice %arg13[%dma_wait3A_65, %dma_wait3A_77, %dma_wait3A_78] : memref<2x128x128xf32, #tpu.memory_space<vmem>> -> memref<1x128x128xf32, #tpu.memory_space<vmem>>
    %dma_wait3A_80 = tpu.memref_squeeze %dma_wait3A_79 : memref<1x128x128xf32, #tpu.memory_space<vmem>> -> memref<128x128xf32, #tpu.memory_space<vmem>>
    tpu.wait_dma2 semaphore(%dma_wait3A_74 : memref<!tpu.dma_semaphore, #tpu.memory_space<semaphore_mem>>) src(%dma_wait3A_80 : memref<128x128xf32, #tpu.memory_space<vmem>>) dst(%dma_wait3A_76 : memref<128x128xf32, #tpu.memory_space<hbm>>)
    return
  }
}

</mosaic_0001>

<sc_bundles>
// kernel: kernel.3.cloned.1.call-start
scs
__scs_entry_jumppad:
0x0: {  	(pc) =	sbr.rel $0x88, $3  }
0x1: {  	(tag) =	ssettag $0x0;
	lr =	simm.s32 $0x1  }
0x2: {  	[smem:$0x3F99] =	sst lr;
	_ =	strace $0xD0000000  }
0x3: {  	_ = 	snop  }
0x4: {  	_ = 	snop  }
0x5: {  	_ = 	snop  }
0x6: {  	_ = 	snop  }
0x7: {  	_ = 	snop  }
__scs_overlays_trampoline_lowered:
0x8: {  	[smem:$0x3FA8] =	sst s0  }
0x9: {  	[smem:$0x3FA9] =	sst s1  }
0xa: {  	[smem:$0x3FAA] =	sst s2  }
0xb: {  	[smem:$0x3FAB] =	sst s3  }
0xc: {  	[smem:$0x3FAC] =	sst s4  }
0xd: {  	[smem:$0x3FAD] =	sst s5  }
0xe: {  	[smem:$0x3FAE] =	sst s6  }
0xf: {  	[smem:$0x3FAF] =	sst s7  }
0x10: {  	[smem:$0x3FB0] =	sst s8  }
0x11: {  	[smem:$0x3FB1] =	sst s9;
	s0 =	simm.s32 @!p0 $0x0  }
0x12: {  	s1 =	sld [smem:$0x3F97];
	s0 =	simm.s32 @p0 $0x1  }
0x13: {  	[smem:$0x3FB2] =	sst s0;
	s0 =	simm.s32 @!p1 $0x0  }
0x14: {  	s2 =	sld [smem:$0x3F96];
	s0 =	simm.s32 @p1 $0x1  }
0x15: {  	[smem:$0x3FB3] =	sst s0;
	s0 =	simm.s32 @!p2 $0x0  }
0x16: {  	s3 =	sld [smem:$0x3FDB];
	s0 =	simm.s32 @p2 $0x1  }
0x17: {  	s4 =	simm.s32 $0x1BF5;
	[smem:$0x3FB5] =	sst s0  }
0x18: {  	s0 =	sld [smem:$0x3F98];
	_ =	swait.ge [sflag:s4], $0x0  }
0x19: {  	s7 =	sld [smem:$0x3F99]  }
0x1a: {  	s8 =	sadd.s32 $0xFFFFE003, lr  }
0x1b: {  	s9 =	sadd.s32 $0xFFFFFEF7, lr;
	s5 =	simm.s32 $0xFFFFFFFF;
	p2 =	slt.u32 s8, $0xFFFFF086  }
0x1c: {  	p1 =	slt.u32 s9, $0xF7A;
	s5 =	simm.s32 @!p2 $0x0  }
0x1d: {  	s5 =	simm.s32 @p1 $0x1;
	p0 =	seq.s32 s7, s2  }
0x1e: {  	s7 =	smul.u32 @!p0 $0xF7A, s2;
	p2 =	seq.s32 @!p0 s5, $0x0  }
0x1f: {  	s9 =	smul.u32 $0xF7A, s1;
	s8 =	simm.s32 @!p0 $0x1BF5;
	p2 =	por !p2, p0  }
0x20: {  	[sflag:s8] =	ssyncset.s32 @!p0 $0xFFFFF086;
	s6 =	sadd.s32 @!p0 s3, s7;
	s7 =	simm.s32 @!p0 $0x108  }
0x21: {  	s3 =	sadd.s32 s3, s9;
	s6 =	sadd.s32 @!p0 $0x88, s6;
	s7 =	simm.s32 @p2 $0x1082  }
0x22: {  	[simem:s7], [sflag:s8] =	dma.local @!p0 [hbm:s6], $0xF7A  }
0x23: {  	s9 =	sor.u32 $0xD0000000, s2;
	s6 =	simm.s32 $0x108;
	_ =	swait.ge @!p0 [sflag:s8], $0x0  }
0x24: {  	s3 =	sadd.s32 $0x88, s3;
	s6 =	simm.s32 @!p1 $0x1082;
	[sflag:s4] =	ssyncset.s32 $0xFFFFF086  }
0x25: {  	[simem:s6], [sflag:s4] =	dma.local [hbm:s3], $0xF7A  }
0x26: {  	[smem:$0x3F99] =	sst s1;
	(tag) =	ssettag s2;
	_ =	strace s9  }
0x27: {  	s1 =	sld [smem:$0x3FA9]  }
0x28: {  	s2 =	sld [smem:$0x3FAA]  }
0x29: {  	s4 =	sld [smem:$0x3FAC]  }
0x2a: {  	p0 =	seq.s32 s5, $0x0;
	s5 =	sld [smem:$0x3FAD]  }
0x2b: {  	s6 =	sld [smem:$0x3FAE]  }
0x2c: {  	s7 =	sld [smem:$0x3FAF]  }
0x2d: {  	s3 =	simm.s32 $0x108;
	s8 =	sld [smem:$0x3FB0]  }
0x2e: {  	s3 =	simm.s32 @!p0 $0x1082;
	s9 =	sld [smem:$0x3FB1]  }
0x2f: {  	lr =	sadd.s32 s0, s3;
	s0 =	sld [smem:$0x3FA8]  }
0x30: {  	s3 =	sld [smem:$0x3FAB]  }
0x31: {  	[smem:$0x3FB4] =	sst s10  }
0x32: {  	s10 =	sld [smem:$0x3FB2];
	_ =	sdelay $0x3  }
0x33: {  	p0 =	seq.s32 s10, $0x1;
	s10 =	sld [smem:$0x3FB4];
	_ =	sdelay $0x3  }
0x34: {  	[smem:$0x3FB4] =	sst s10  }
0x35: {  	s10 =	sld [smem:$0x3FB3];
	_ =	sdelay $0x3  }
0x36: {  	p1 =	seq.s32 s10, $0x1;
	s10 =	sld [smem:$0x3FB4];
	_ =	sdelay $0x3  }
0x37: {  	[smem:$0x3FB4] =	sst s10  }
0x38: {  	s10 =	sld [smem:$0x3FB5]  }
0x39: {  	_ = 	snop;
	(pc) =	sbr.ind lr, $3  }
0x3a: {  	_ = 	snop  }
0x3b: {  	_ = 	snop  }
0x3c: {  	p2 =	seq.s32 s10, $0x1;
	s10 =	sld [smem:$0x3FB4]  }
0x3d: {  	_ =	shalt  }
0x3e: {  	_ =	shalt  }
0x3f: {  	_ =	shalt  }
0x40: {  	_ =	shalt  }
0x41: {  	_ =	shalt  }
0x42: {  	_ =	shalt  }
0x43: {  	_ =	shalt  }
0x44: {  	_ =	shalt  }
0x45: {  	_ =	shalt  }
0x46: {  	_ =	shalt  }
0x47: {  	_ =	shalt  }
0x48: {  	_ =	shalt  }
0x49: {  	_ =	shalt  }
0x4a: {  	_ =	shalt  }
0x4b: {  	_ =	shalt  }
0x4c: {  	_ =	shalt  }
0x4d: {  	_ =	shalt  }
0x4e: {  	_ =	shalt  }
0x4f: {  	_ =	shalt  }
0x50: {  	_ =	shalt  }
0x51: {  	_ =	shalt  }
0x52: {  	_ =	shalt  }
0x53: {  	_ =	shalt  }
0x54: {  	_ =	shalt  }
0x55: {  	_ =	shalt  }
0x56: {  	_ =	shalt  }
0x57: {  	_ =	shalt  }
0x58: {  	_ =	shalt  }
0x59: {  	_ =	shalt  }
0x5a: {  	_ =	shalt  }
0x5b: {  	_ =	shalt  }
0x5c: {  	_ =	shalt  }
0x5d: {  	_ =	shalt  }
0x5e: {  	_ =	shalt  }
0x5f: {  	_ =	shalt  }
0x60: {  	_ =	shalt  }
0x61: {  	_ =	shalt  }
0x62: {  	_ =	shalt  }
0x63: {  	_ =	shalt  }
0x64: {  	_ =	shalt  }
0x65: {  	_ =	shalt  }
0x66: {  	_ =	shalt  }
0x67: {  	_ =	shalt  }
0x68: {  	_ =	shalt  }
0x69: {  	_ =	shalt  }
0x6a: {  	_ =	shalt  }
0x6b: {  	_ =	shalt  }
0x6c: {  	_ =	shalt  }
0x6d: {  	_ =	shalt  }
0x6e: {  	_ =	shalt  }
0x6f: {  	_ =	shalt  }
0x70: {  	_ =	shalt  }
0x71: {  	_ =	shalt  }
0x72: {  	_ =	shalt  }
0x73: {  	_ =	shalt  }
0x74: {  	_ =	shalt  }
0x75: {  	_ =	shalt  }
0x76: {  	_ =	shalt  }
0x77: {  	_ =	shalt  }
0x78: {  	_ =	shalt  }
0x79: {  	_ =	shalt  }
0x7a: {  	_ =	shalt  }
0x7b: {  	_ =	shalt  }
0x7c: {  	_ =	shalt  }
0x7d: {  	_ =	shalt  }
0x7e: {  	_ =	shalt  }
0x7f: {  	_ =	shalt  }
0x80: {  	_ =	shalt  }
0x81: {  	_ =	shalt  }
0x82: {  	_ =	shalt  }
0x83: {  	_ =	shalt  }
0x84: {  	_ =	shalt  }
0x85: {  	_ =	shalt  }
0x86: {  	_ =	shalt  }
0x87: {  	_ =	shalt  }
.Lfunc_end0:
.L_simem_size_0:
called_computation_lowered:
.L_overlay_start_0:
0x88: {  	s2 =	sld [smem:$0x3FD9]  }
0x89: {  	s3 =	sld [smem:$0x3FFE];
	_ =	sdelay $0x1  }
0x8a: {  	s1 =	srdreg.scid  }
0x8b: {  	s0 =	sand.u32 $0x1, s1  }
0x8c: {  	s17 =	sshll.u32 s0, $0xA;
	s2 =	sadd.s32 s3, s2  }
0x8d: {  	s2 =	sadd.s32 s2, s17  }
0x8e: {  	[smem:$0x3FC0] =	sst s2  }
0x8f: {  	_ = 	snop  }
0x90: {  	s2 =	sld [smem:$0x3FC6]  }
0x91: {  	s18 =	sld [smem:$0x3FC3]  }
0x92: {  	s4 =	sld [smem:$0x3FC2]  }
0x93: {  	s5 =	sld [smem:$0x3FD0];
	(tm) =	ssettm $0x1  }
0x94: {  	s6 =	sld [smem:$0x3FFB];
	_ =	sdelay $0x3  }
0x95: {  	_ =	strace s6  }
0x96: {  	s6 =	sld [smem:$0x3FFC];
	_ =	sdelay $0x3  }
0x97: {  	_ =	strace s6  }
0x98: {  	s6 =	sld [smem:$0x3FFD];
	_ =	sdelay $0x3  }
0x99: {  	_ =	strace s6  }
0x9a: {  	_ =	strace $0x8FFFFFFF  }
0x9b: {  	s19 =	sld [smem:$0x3FDB];
	_ =	sdelay $0x1  }
0x9c: {  	s7 =	simm.s32 $_scs_section_size  }
0x9d: {  	s8 =	simm.s32 $_size__tile_overlayer_lowered;
	s9 =	simm.s32 $_tile_overlayer_lowered  }
0x9e: {  	s22 =	simm.s32 $0x1BFF;
	s21 =	sshll.u32 s9, $0x1;
	s6 =	sadd.s32 s7, s19  }
0x9f: {  	s10 =	simm.s32 $0x0;
	s20 =	sshll.u32 s8, $0x1;
	s8 =	sadd.s32 s21, s6  }
0xa0: {  	[timem:s10], [sflag:s22] =	dma.local [hbm:s8], s20  }
0xa1: {  	_ =	swait.ge [sflag:s22], s20  }
0xa2: {  	s7 =	ssub.s32 $0x0, s20;
	[sflag:s22] =	ssyncset.done $0x0  }
0xa3: {  	[sflag:s22] =	ssyncadd.s32 s7;
	_ =	sdelay $0x1  }
0xa4: {  	s23 =	simm.s32 $0x1B8B  }
0xa5: {  	_ =	swait.ge [sflag:s23], $0x1  }
0xa6: {  	[sflag:s23] =	ssyncset.done $0x0  }
0xa7: {  	s25 =	simm.s32 $0x1B8E;
	s24 =	sld [smem:$0x3FFE];
	[sflag:s23] =	ssyncadd.s32 $0xFFFFFFFF  }
0xa8: {  	s26 =	simm.s32 $execute0_lowered;
	[smem:$0x3FD2] =	sst s25  }
0xa9: {  	s8 =	sshll.u32 s26, $0x1;
	_ =	strace $0x80000046;
	[dreg:$0x1] =	wrdreg $0xFFFFFFFF  }
0xaa: {  	s28 =	simm.s32 $_size_execute0_lowered;
	s6 =	sadd.s32 s6, s8;
	[dreg:$0x0] =	wrdreg $0x0  }
0xab: {  	s8 =	sshll.u32 s28, $0x1;
	[dreg:$0x2] =	wrdreg s6  }
0xac: {  	[dreg:$0x3] =	wrdreg s8  }
0xad: {  	[dreg:$0x4] =	wrdreg $0xC0  }
0xae: {  	_ =	task [dreg:s10], $0x5FFFF  }
0xaf: {  	[dreg:$0x1] =	wrdreg $0xFFFFFFFF  }
0xb0: {  	[dreg:$0x0] =	wrdreg $0x60  }
0xb1: {  	[dreg:$0x2] =	wrdreg s24  }
0xb2: {  	[dreg:$0x3] =	wrdreg s2  }
0xb3: {  	[dreg:$0x4] =	wrdreg s18  }
0xb4: {  	[dreg:$0x5] =	wrdreg s4  }
0xb5: {  	[dreg:$0x6] =	wrdreg s5  }
0xb6: {  	[dreg:$0x7] =	wrdreg $0x9  }
0xb7: {  	_ =	task.clear_ibuf [dreg:s10], $0x8FFFF;
	_ =	strace $0x90000046  }
0xb8: {  	s29 =	simm.s32 $0x9;
	_ =	strace $0x80000048  }
0xb9: {  	_ =	swait.ge [sflag:s29], $0x1  }
0xba: {  	[sflag:s29] =	ssyncadd.s32 $0xFFFFFFFF  }
0xbb: {  	_ =	strace $0x90000048  }
0xbc: {  	_ =	sfence  }
0xbd: {  	s30 =	sld [smem:$0x0];
	_ =	sdelay $0x2  }
0xbe: {  	s31 =	sshll.u32 s1, $0xD;
	s1 =	sshrl.u32 s1, $0x2  }
0xbf: {  	s3 =	sand.u32 $0x4000, s31;
	s1 =	sadd.s32 s1, s30  }
0xc0: {  	s0 =	sor.u32 s3, s0;
	s1 =	sshll.u32 s1, $0x11  }
0xc1: {  	s0 =	sor.u32 s1, s0  }
0xc2: {  	s0 =	sadd.s32 $0x8F2B, s0  }
0xc3: {  	[sflag:s0] =	ssyncadd.remote.s32 $0x1  }
0xc4: {  	_ =	sfence.sel $0xFFFF  }
0xc5: {  	[dreg:$0x0] =	wrdreg $0xFFFFFFFF;
	(pc) =	sbr.abs _section_cstart, $3  }
0xc6: {  	[dreg:$0x1] =	wrdreg $0xFFFFFFFF  }
0xc7: {  	_ =	task.clear_ibuf [dreg:s10], $0x2FFFF;
	_ =	strace $0x9FFFFFFF  }
0xc8: {  	(tm) =	ssettm $0x7FFFFFFF  }
0xc9: {  	_ =	shalt  }
tec
execute0_lowered:
.L_overlay_start_1:
0x0: {  	(tag) =	ssettag $0x1  }
0x1: {  	s0 =	rddreg [dreg:$0x0]  }
0x2: {  	s1 =	rddreg [dreg:$0x1]  }
0x3: {  	s2 =	srdreg.scid;
	s9 =	stileid.u32  }
0x4: {  	s5 =	rddreg [dreg:$0x4];
	s6 =	simm.s32 $0x0;
	s18 =	simm.s32 $0x7  }
0x5: {  	s20 =	simm.s32 $0x80;
	s21 =	simm.s32 $0x400;
	s22 =	simm.s32 $0x1900  }
0x6: {  	s28 =	simm.s32 $0xF200;
	s29 =	simm.s32 $0x1;
	s30 =	simm.s32 $0x3  }
0x7: {  	s17 =	simm.s32 $0x6;
	s31 =	simm.s32 $0x0;
	s2 =	sand.u32 $0x1, s2  }
0x8: {  	s3 =	sshll.u32 s9, $0x1;
	s4 =	sshrl.u32 s9, $0x2;
	s9 =	smul.u32 $0x190000, s9  }
0x9: {  	[smem:$0x7FF] =	sst s6;
	s3 =	sor.u32 s2, s3;
	s4 =	smul.u32 $0xC800, s4  }
0xa: {  	s8 =	ssub.s32 $0x2, s2;
	s2 =	smul.u32 $0xC8000, s2;
	s7 =	sshll.u32 s3, $0x7  }
0xb: {  	_ =	strace $0x80000047;
	s3 =	smul.u32 $0xC8000, s3;
	s7 =	sand.u32 $0x380, s7  }
0xc: {  	s23 =	sshrl.u32 s8, $0x1;
	s2 =	sadd.s32 s2, s9;
	s4 =	sor.u32 s4, s7  }
0xd: {  	s7 =	sadd.s32 $0xCC00, s0;
	s3 =	sshrl.u32 s3, $0x3;
	s26 =	sadd.s32 $0xC000, s2  }
0xe: {  	s15 =	sadd.s32 $0x8000, s2;
	s4 =	sshrl.u32 s4, $0x3;
	s10 =	sadd.s32 s5, s3  }
0xf: {  	s2 =	simm.s32 $0x4;
	s4 =	sadd.s32 s4, s0;
	s25 =	sadd.s32 $0x800, s10  }
0x10: {  	s0 =	ssub.s32 s8, s23;
	s3 =	sadd.s32 $0x18000, s10;
	[dreg:$0x9] =	wrdreg s25  }
0x11: {  	s14 =	sadd.s32 $0x18800, s10;
	s24 =	sadd.s32 $0x6800, s4;
	[dreg:$0xa] =	wrdreg s3  }
0x12: {  	s23 =	simm.s32 $0x3200;
	s4 =	sadd.s32 $0x400, s4;
	[dreg:$0x6] =	wrdreg s24  }
0x13: {  	s0 =	smax.u32 s0, $0x1;
	s25 =	simm.s32 $0x7200;
	[dreg:$0x7] =	wrdreg s4  }
0x14: {  	[dreg:$0x8] =	wrdreg s0;
	s0 =	sshrl.u32 s26, $0x3;
	s24 =	simm.s32 $0xB200  }
0x15: {  	s4 =	simm.s32 $0x5;
	s8 =	sadd.s32 s0, s5;
	s0 =	simm.s32 $0x2  }
.LBB2_1:
0x16: {  	s3 =	rddreg [dreg:$0x2];
	s9 =	simm.s32 $0x13200  }
0x17: {  	[tilespmem:s9], [sflag:$0x7] =	stream.linear.gather [hbm4b:s3+s6], $0x80, $0x38;
	[tilespmem:$0x13300] =	vst v63  }
0x18: {  	_ =	swait.ge [sflag:s18], $0x80  }
0x19: {  	[sflag:s18] =	ssyncset.done $0x0  }
0x1a: {  	[sflag:s18] =	ssyncadd.s32 $0xFFFFFF80  }
0x1b: {  	s12 =	simm.s32 $0x13280;
	s11 =	rddreg [dreg:$0x3]  }
0x1c: {  	[tilespmem:s12], [sflag:$0x7] =	stream.linear.gather [hbm4b:s11+s6], $0x80, $0x38;
	[tilespmem:$0x13300] =	vst v63  }
0x1d: {  	_ =	swait.ge [sflag:s18], $0x80  }
0x1e: {  	[sflag:s18] =	ssyncset.done $0x0  }
0x1f: {  	s13 =	rddreg [dreg:$0x6];
	[sflag:s18] =	ssyncadd.s32 $0xFFFFFF80  }
0x20: {  	[tilespmem:s6], [sflag:$0x7] =	stream.strided.gather [hbm4b:s13+s20], $0x1900, s21, s20, $0x38;
	[tilespmem:$0x13300] =	vst v63  }
0x21: {  	_ =	swait.ge [sflag:s18], $0x1900  }
0x22: {  	[sflag:s18] =	ssyncset.done $0x0  }
0x23: {  	s16 =	rddreg [dreg:$0x7];
	[sflag:s18] =	ssyncadd.s32 $0xFFFFE700  }
0x24: {  	[tilespmem:s22], [sflag:$0x7] =	stream.strided.gather [hbm4b:s16+s20], $0x1900, s21, s20, $0x38;
	[tilespmem:$0x13300] =	vst v63  }
0x25: {  	_ =	swait.ge [sflag:s18], $0x1900  }
0x26: {  	[sflag:s18] =	ssyncset.done $0x0  }
0x27: {  	[sflag:s18] =	ssyncadd.s32 $0xFFFFE700  }
0x28: {  	[tilespmem:s23], [sflag:$0x1] =	stream.indirect.gather [hbm4b:s1+s20], $0x80, s6, s20, $0xb8;
	[tilespmem:$0x13300] =	vst v63  }
0x29: {  	_ = 	snop  }
0x2a: {  	[tilespmem:s24], [sflag:$0x3] =	stream.indirect.gather [hbm4b:s7+s20], $0x80, s22, s20, $0xb8;
	[tilespmem:$0x13300] =	vst v63  }
0x2b: {  	_ = 	snop  }
0x2c: {  	[tilespmem:s25], [sflag:$0x2] =	stream.indirect.gather [hbm4b:s1+s20], $0x80, s20, s20, $0xb8;
	[tilespmem:$0x13300] =	vst v63  }
0x2d: {  	s19 =	simm.s32 $0x1980  }
0x2e: {  	[tilespmem:s28], [sflag:$0x4] =	stream.indirect.gather [hbm4b:s7+s20], $0x80, s19, s20, $0xb8;
	[tilespmem:$0x13300] =	vst v63  }
0x2f: {  	_ =	swait.ge [sflag:s29], $0x4000  }
0x30: {  	[sflag:s29] =	ssyncset.done $0x0  }
0x31: {  	[sflag:s29] =	ssyncadd.s32 $0xFFFFC000  }
0x32: {  	_ =	swait.ge [sflag:s30], $0x4000  }
0x33: {  	[sflag:s30] =	ssyncset.done $0x0  }
0x34: {  	[sflag:s30] =	ssyncadd.s32 $0xFFFFC000  }
0x35: {  	[hbm4b:s10+s6] =	stream.linear.scatter [tilespmem:s23], [sflag:$0x5], $0x4000, $0x38;
	[tilespmem:$0x13300] =	vst v63  }
0x36: {  	s26 =	simm.s32 $0x100  }
0x37: {  	[tilespmem:s23], [sflag:$0x1] =	stream.indirect.gather [hbm4b:s1+s20], $0x80, s26, s20, $0xb8;
	[tilespmem:$0x13300] =	vst v63  }
0x38: {  	s9 =	simm.s32 $0x1A00  }
0x39: {  	[tilespmem:s24], [sflag:$0x3] =	stream.indirect.gather [hbm4b:s7+s20], $0x80, s9, s20, $0xb8;
	[tilespmem:$0x13300] =	vst v63  }
0x3a: {  	_ =	swait.ge [sflag:s0], $0x4000  }
0x3b: {  	[sflag:s0] =	ssyncset.done $0x0  }
0x3c: {  	[sflag:s0] =	ssyncadd.s32 $0xFFFFC000  }
0x3d: {  	_ =	swait.ge [sflag:s2], $0x4000  }
0x3e: {  	[sflag:s2] =	ssyncset.done $0x0  }
0x3f: {  	s11 =	rddreg [dreg:$0x9];
	[sflag:s2] =	ssyncadd.s32 $0xFFFFC000  }
0x40: {  	[hbm4b:s11+s6] =	stream.linear.scatter [tilespmem:s25], [sflag:$0x6], $0x4000, $0x38;
	[tilespmem:$0x13300] =	vst v63  }
0x41: {  	s12 =	simm.s32 $0x180  }
0x42: {  	[tilespmem:s25], [sflag:$0x2] =	stream.indirect.gather [hbm4b:s1+s20], $0x80, s12, s20, $0xb8;
	[tilespmem:$0x13300] =	vst v63  }
0x43: {  	s13 =	simm.s32 $0x1A80  }
0x44: {  	[tilespmem:s28], [sflag:$0x4] =	stream.indirect.gather [hbm4b:s7+s20], $0x80, s13, s20, $0xb8;
	[tilespmem:$0x13300] =	vst v63  }
0x45: {  	_ =	swait.ge [sflag:s29], $0x4000  }
0x46: {  	[sflag:s29] =	ssyncset.done $0x0  }
0x47: {  	[sflag:s29] =	ssyncadd.s32 $0xFFFFC000  }
0x48: {  	_ =	swait.ge [sflag:s30], $0x4000  }
0x49: {  	[sflag:s30] =	ssyncset.done $0x0  }
0x4a: {  	[sflag:s30] =	ssyncadd.s32 $0xFFFFC000  }
0x4b: {  	_ =	swait.ge [sflag:s4], $0x4000  }
0x4c: {  	s16 =	sshrl.u32 s15, $0x3;
	[sflag:s4] =	ssyncset.done $0x0  }
0x4d: {  	s3 =	sadd.s32 s5, s16;
	[sflag:s4] =	ssyncadd.s32 $0xFFFFC000  }
0x4e: {  	[hbm4b:s3+s6] =	stream.linear.scatter [tilespmem:s23], [sflag:$0x5], $0x4000, $0x38;
	[tilespmem:$0x13300] =	vst v63  }
0x4f: {  	s19 =	simm.s32 $0x200  }
0x50: {  	[tilespmem:s23], [sflag:$0x1] =	stream.indirect.gather [hbm4b:s1+s20], $0x80, s19, s20, $0xb8;
	[tilespmem:$0x13300] =	vst v63  }
0x51: {  	s26 =	simm.s32 $0x1B00  }
0x52: {  	[tilespmem:s24], [sflag:$0x3] =	stream.indirect.gather [hbm4b:s7+s20], $0x80, s26, s20, $0xb8;
	[tilespmem:$0x13300] =	vst v63  }
0x53: {  	_ =	swait.ge [sflag:s0], $0x4000  }
0x54: {  	[sflag:s0] =	ssyncset.done $0x0  }
0x55: {  	[sflag:s0] =	ssyncadd.s32 $0xFFFFC000  }
0x56: {  	_ =	swait.ge [sflag:s2], $0x4000  }
0x57: {  	[sflag:s2] =	ssyncset.done $0x0  }
0x58: {  	[sflag:s2] =	ssyncadd.s32 $0xFFFFC000  }
0x59: {  	s16 =	smov.u32 s8;
	_ =	swait.ge [sflag:s17], $0x4000  }
0x5a: {  	s9 =	simm.s32 $0x800;
	s3 =	sadd.s32 $0x1000, s8;
	[sflag:s17] =	ssyncset.done $0x0  }
0x5b: {  	s19 =	simm.s32 $0x100;
	s26 =	sadd.s32 $0x8000, s15;
	[sflag:s17] =	ssyncadd.s32 $0xFFFFC000  }
.LBB2_2:
0x5c: {  	[hbm4b:s16+s6] =	stream.linear.scatter [tilespmem:s25], [sflag:$0x6], $0x4000, $0x38;
	[tilespmem:$0x13300] =	vst v63  }
0x5d: {  	s11 =	smov.u32 s9;
	s16 =	smov.u32 s3  }
0x5e: {  	s12 =	sadd.s32 $0x400, s9;
	s13 =	sadd.s32 $0x180, s19;
	s11 =	sshra.s32 s11, $0x2  }
0x5f: {  	[tilespmem:s25], [sflag:$0x2] =	stream.indirect.gather [hbm4b:s1+s20], $0x80, s13, s20, $0xb8;
	[tilespmem:$0x13300] =	vst v63  }
0x60: {  	p0 =	sne.s32 s9, $0x5800;
	s9 =	sadd.s32 $0x1A80, s19  }
0x61: {  	[tilespmem:s28], [sflag:$0x4] =	stream.indirect.gather [hbm4b:s7+s20], $0x80, s9, s20, $0xb8;
	[tilespmem:$0x13300] =	vst v63  }
0x62: {  	_ =	swait.ge [sflag:s29], $0x4000  }
0x63: {  	[sflag:s29] =	ssyncset.done $0x0  }
0x64: {  	[sflag:s29] =	ssyncadd.s32 $0xFFFFC000  }
0x65: {  	_ =	swait.ge [sflag:s30], $0x4000  }
0x66: {  	[sflag:s30] =	ssyncset.done $0x0  }
0x67: {  	[sflag:s30] =	ssyncadd.s32 $0xFFFFC000  }
0x68: {  	_ =	swait.ge [sflag:s4], $0x4000  }
0x69: {  	s9 =	sshrl.u32 s26, $0x3;
	[sflag:s4] =	ssyncset.done $0x0  }
0x6a: {  	s9 =	sadd.s32 s5, s9;
	[sflag:s4] =	ssyncadd.s32 $0xFFFFC000  }
0x6b: {  	[hbm4b:s9+s6] =	stream.linear.scatter [tilespmem:s23], [sflag:$0x5], $0x4000, $0x38;
	[tilespmem:$0x13300] =	vst v63  }
0x6c: {  	s9 =	sadd.s32 $0x200, s19  }
0x6d: {  	[tilespmem:s23], [sflag:$0x1] =	stream.indirect.gather [hbm4b:s1+s20], $0x80, s9, s20, $0xb8;
	[tilespmem:$0x13300] =	vst v63  }
0x6e: {  	s9 =	sadd.s32 $0x1B00, s19;
	s19 =	smov.u32 s11  }
0x6f: {  	[tilespmem:s24], [sflag:$0x3] =	stream.indirect.gather [hbm4b:s7+s20], $0x80, s9, s20, $0xb8;
	[tilespmem:$0x13300] =	vst v63  }
0x70: {  	_ =	swait.ge [sflag:s0], $0x4000  }
0x71: {  	[sflag:s0] =	ssyncset.done $0x0  }
0x72: {  	[sflag:s0] =	ssyncadd.s32 $0xFFFFC000  }
0x73: {  	_ =	swait.ge [sflag:s2], $0x4000  }
.Ltmp0:
0x74: {  	[sflag:s2] =	ssyncset.done $0x0;
	(pc) =	sbr.rel @p0 .LBB2_2-.Ltmp0, $4  }
0x75: {  	[sflag:s2] =	ssyncadd.s32 $0xFFFFC000  }
0x76: {  	_ =	swait.ge [sflag:s17], $0x4000  }
0x77: {  	s3 =	sadd.s32 $0x1000, s3;
	[sflag:s17] =	ssyncset.done $0x0  }
0x78: {  	s26 =	sadd.s32 $0x8000, s26;
	s9 =	smov.u32 s12;
	[sflag:s17] =	ssyncadd.s32 $0xFFFFC000  }
0x79: {  	[hbm4b:s16+s6] =	stream.linear.scatter [tilespmem:s25], [sflag:$0x6], $0x4000, $0x38;
	[tilespmem:$0x13300] =	vst v63  }
0x7a: {  	s9 =	sadd.s32 $0x180, s19  }
0x7b: {  	[tilespmem:s25], [sflag:$0x2] =	stream.indirect.gather [hbm4b:s1+s20], $0x80, s9, s20, $0xb8;
	[tilespmem:$0x13300] =	vst v63  }
0x7c: {  	s16 =	sadd.s32 $0x1A80, s19  }
0x7d: {  	[tilespmem:s28], [sflag:$0x4] =	stream.indirect.gather [hbm4b:s7+s20], $0x80, s16, s20, $0xb8;
	[tilespmem:$0x13300] =	vst v63  }
0x7e: {  	_ =	swait.ge [sflag:s29], $0x4000  }
0x7f: {  	[sflag:s29] =	ssyncset.done $0x0  }
0x80: {  	[sflag:s29] =	ssyncadd.s32 $0xFFFFC000  }
0x81: {  	_ =	swait.ge [sflag:s30], $0x4000  }
0x82: {  	[sflag:s30] =	ssyncset.done $0x0  }
0x83: {  	[sflag:s30] =	ssyncadd.s32 $0xFFFFC000  }
0x84: {  	_ =	swait.ge [sflag:s4], $0x4000  }
0x85: {  	s26 =	sshrl.u32 s26, $0x3;
	[sflag:s4] =	ssyncset.done $0x0  }
0x86: {  	s9 =	sadd.s32 s5, s26;
	[sflag:s4] =	ssyncadd.s32 $0xFFFFC000  }
0x87: {  	[hbm4b:s9+s6] =	stream.linear.scatter [tilespmem:s23], [sflag:$0x5], $0x4000, $0x38;
	[tilespmem:$0x13300] =	vst v63  }
0x88: {  	s11 =	sadd.s32 $0x200, s19  }
0x89: {  	[tilespmem:s23], [sflag:$0x1] =	stream.indirect.gather [hbm4b:s1+s20], $0x80, s11, s20, $0xb8;
	[tilespmem:$0x13300] =	vst v63  }
0x8a: {  	s12 =	sadd.s32 $0x1B00, s19  }
0x8b: {  	[tilespmem:s24], [sflag:$0x3] =	stream.indirect.gather [hbm4b:s7+s20], $0x80, s12, s20, $0xb8;
	[tilespmem:$0x13300] =	vst v63  }
0x8c: {  	_ =	swait.ge [sflag:s0], $0x4000  }
0x8d: {  	[sflag:s0] =	ssyncset.done $0x0  }
0x8e: {  	[sflag:s0] =	ssyncadd.s32 $0xFFFFC000  }
0x8f: {  	_ =	swait.ge [sflag:s2], $0x4000  }
0x90: {  	[sflag:s2] =	ssyncset.done $0x0  }
0x91: {  	[sflag:s2] =	ssyncadd.s32 $0xFFFFC000  }
0x92: {  	_ =	swait.ge [sflag:s17], $0x4000  }
0x93: {  	[sflag:s17] =	ssyncset.done $0x0  }
0x94: {  	[sflag:s17] =	ssyncadd.s32 $0xFFFFC000  }
0x95: {  	[hbm4b:s3+s6] =	stream.linear.scatter [tilespmem:s25], [sflag:$0x6], $0x4000, $0x38;
	[tilespmem:$0x13300] =	vst v63  }
0x96: {  	s13 =	simm.s32 $0x1880  }
0x97: {  	[tilespmem:s25], [sflag:$0x2] =	stream.indirect.gather [hbm4b:s1+s20], $0x80, s13, s20, $0xb8;
	[tilespmem:$0x13300] =	vst v63  }
0x98: {  	s16 =	simm.s32 $0x3180  }
0x99: {  	[tilespmem:s28], [sflag:$0x4] =	stream.indirect.gather [hbm4b:s7+s20], $0x80, s16, s20, $0xb8;
	[tilespmem:$0x13300] =	vst v63  }
0x9a: {  	_ =	swait.ge [sflag:s29], $0x4000  }
0x9b: {  	[sflag:s29] =	ssyncset.done $0x0  }
0x9c: {  	[sflag:s29] =	ssyncadd.s32 $0xFFFFC000  }
0x9d: {  	_ =	swait.ge [sflag:s30], $0x4000  }
0x9e: {  	[sflag:s30] =	ssyncset.done $0x0  }
0x9f: {  	[sflag:s30] =	ssyncadd.s32 $0xFFFFC000  }
0xa0: {  	_ =	swait.ge [sflag:s4], $0x4000  }
0xa1: {  	[sflag:s4] =	ssyncset.done $0x0  }
0xa2: {  	s19 =	rddreg [dreg:$0xa];
	[sflag:s4] =	ssyncadd.s32 $0xFFFFC000  }
0xa3: {  	[hbm4b:s19+s6] =	stream.linear.scatter [tilespmem:s23], [sflag:$0x5], $0x4000, $0x38;
	[tilespmem:$0x13300] =	vst v63  }
0xa4: {  	_ =	swait.ge [sflag:s0], $0x4000  }
0xa5: {  	[sflag:s0] =	ssyncset.done $0x0  }
0xa6: {  	[sflag:s0] =	ssyncadd.s32 $0xFFFFC000  }
0xa7: {  	_ =	swait.ge [sflag:s2], $0x4000  }
0xa8: {  	[sflag:s2] =	ssyncset.done $0x0  }
0xa9: {  	[sflag:s2] =	ssyncadd.s32 $0xFFFFC000  }
0xaa: {  	_ =	swait.ge [sflag:s17], $0x4000  }
0xab: {  	[sflag:s17] =	ssyncset.done $0x0  }
0xac: {  	[sflag:s17] =	ssyncadd.s32 $0xFFFFC000  }
0xad: {  	[hbm4b:s14+s6] =	stream.linear.scatter [tilespmem:s25], [sflag:$0x6], $0x4000, $0x38;
	[tilespmem:$0x13300] =	vst v63  }
0xae: {  	_ =	swait.ge [sflag:s4], $0x4000  }
0xaf: {  	[sflag:s4] =	ssyncset.done $0x0  }
0xb0: {  	[sflag:s4] =	ssyncadd.s32 $0xFFFFC000  }
0xb1: {  	_ =	swait.ge [sflag:s17], $0x4000  }
0xb2: {  	s31 =	sadd.s32 $0x1, s31;
	s26 =	rddreg [dreg:$0x8]  }
0xb3: {  	p0 =	sne.s32 s31, s26  }
.Ltmp1:
0xb4: {  	_ = 	snop;
	(pc) =	sbr.rel @p0 .LBB2_1-.Ltmp1, $3  }
0xb5: {  	_ =	sdelay $0x1  }
0xb6: {  	[sflag:s17] =	ssyncset.done $0x0  }
0xb7: {  	[sflag:s17] =	ssyncadd.s32 $0xFFFFC000  }
0xb8: {  	_ =	sfence.sel $0x180000  }
0xb9: {  	[bflag:$0x0] =	sbarrier.arrive $0xFFFF  }
0xba: {  	_ =	strace $0x90000047  }
0xbb: {  	s0 =	stileid.u32;
	[bflag:$0x2] =	sbarrier.arrive $0xFFFF  }
0xbc: {  	p0 =	sne.s32 s0, $0x0;
	s0 =	rddreg [dreg:$0x5]  }
0xbd: {  	s0 =	sadd.s32 @!p0 $0x100000, s0  }
0xbe: {  	[sflag:s0] =	ssyncadd.tile.s32 @!p0 $0x1;
	_ =	shalt  }
.Lfunc_end2:
_tile_overlayer_lowered:
.L_overlay_start_2:
0xbf: {  	(tag) =	ssettag $0x2  }
0xc0: {  	s0 =	rddreg [dreg:$0x0];
	s2 =	stileid.u32  }
0xc1: {  	s1 =	rddreg [dreg:$0x1];
	p0 =	sne.s32 s2, $0x0  }
0xc2: {  	s3 =	rddreg [dreg:$0x2];
	[bflag:$0x3] =	sbarrier.arrive $0xFFFF;
	s2 =	simm.s32 @!p0 $0x1C07  }
0xc3: {  	[timem:s3], [sflag:s2] =	dma.local @!p0 [hbm:s0], s1  }
0xc4: {  	s0 =	simm.s32 @!p0 $0x7  }
0xc5: {  	_ =	swait.ge @!p0 [sflag:s0], s1  }
0xc6: {  	s1 =	ssub.s32 @!p0 $0x0, s1;
	[sflag:s0] =	ssyncset.done @!p0 $0x0  }
0xc7: {  	[sflag:s0] =	ssyncadd.s32 @!p0 s1  }
0xc8: {  	[bflag:$0x3] =	sbarrier.arrive $0xFFFF  }
0xc9: {  	_ =	shalt  }

</sc_bundles>
